<compile_context>
chip_gen: v7x
topology: tpu7x:2x2x1
jax: 0.10.2.dev20260603
libtpu: 0.0.44.dev20260713+nightly
codegen_flags: <defaults>
</compile_context>

<pallas_src>
import jax
import jax.numpy as jnp
from jax import lax
from jax.experimental import pallas as pl
from jax.experimental.pallas import tpu as pltpu
from jax.experimental.pallas import tpu_sc as plsc

N = 10000
E = 160000
D = 256
HALF = 128
T = 100
K = 125
EROWS = E // K
NC = 2
NS = 16
ROWS_PER_TILE = EROWS // NS
PH_ROWS = 40
NSEG = 624
NTAIL = N - NS * NSEG


_MESH = plsc.VectorSubcoreMesh(core_axis_name="c", subcore_axis_name="s")


NW = NC * NS
EPW = E // NW
EPW_PAD = 5008


def _deg_body(dst_hbm, zeros_hbm, out_hbm, idx_v, cnt_v):
    c = lax.axis_index("c")
    s = lax.axis_index("s")
    wid = c * NS + s
    pltpu.sync_copy(zeros_hbm, cnt_v)
    pltpu.sync_copy(dst_hbm.at[wid].at[0], idx_v)
    ones16 = jnp.ones((16,), jnp.float32)
    lanes = lax.broadcasted_iota(jnp.int32, (16,), 0)

    @pl.loop(0, EPW_PAD // 16)
    def _(j):
        base = j * 16
        iv = plsc.load_gather(idx_v, [lanes + base])
        mask = (lanes + base) < EPW
        plsc.addupdate_scatter(cnt_v, [iv], ones16, mask=mask)

    pltpu.sync_copy(cnt_v, out_hbm.at[wid].at[0])


_deg_call = pl.kernel(
    _deg_body,
    out_type=jax.ShapeDtypeStruct((NW, 1, N), jnp.float32),
    mesh=_MESH,
    scratch_types=[
        pltpu.VMEM((EPW_PAD,), jnp.int32),
        pltpu.VMEM((N,), jnp.float32),
    ],
    compiler_params=pltpu.CompilerParams(needs_layout_passes=False),
)


def _scatter_body(g_hbm, src_hbm, dst_hbm, acc_hbm, srci_v, dsti_v, buf0_v,
                  buf1_v, sem0, sem1, ssem0, ssem1, acc_sh):
    c = lax.axis_index("c")
    s = lax.axis_index("s")
    seg = pl.ds(s * NSEG, NSEG)
    tail = pl.ds(NS * NSEG, NTAIL)
    for cc in range(NC):
        @pl.when(c == cc)
        def _(cc=cc):
            pltpu.sync_copy(g_hbm.at[cc].at[seg], acc_sh.at[seg])

            @pl.when(s == NS - 1)
            def _():
                pltpu.sync_copy(g_hbm.at[cc].at[tail], acc_sh.at[tail])

    plsc.subcore_barrier()
    bufs = (buf0_v, buf1_v)
    gsems = (sem0, sem1)
    ssems = (ssem0, ssem1)
    for cc in range(NC):
        @pl.when(c == cc)
        def _(cc=cc):
            g = g_hbm.at[cc]
            for ph in range(ROWS_PER_TILE // PH_ROWS):
                base = s * ROWS_PER_TILE + ph * PH_ROWS
                pltpu.sync_copy(src_hbm.at[pl.ds(base, PH_ROWS)], srci_v)
                pltpu.sync_copy(dst_hbm.at[pl.ds(base, PH_ROWS)], dsti_v)
                pltpu.async_copy(g.at[srci_v.at[0]], bufs[0], gsems[0])

                @pl.loop(0, PH_ROWS, step=2)
                def _(t):
                    for b2 in range(2):
                        j = t + b2
                        buf, gsem, ssem = bufs[b2], gsems[b2], ssems[b2]
                        obuf = bufs[1 - b2]
                        ogsem, ossem = gsems[1 - b2], ssems[1 - b2]
                        pltpu.make_async_copy(g.at[srci_v.at[0]], buf,
                                              gsem).wait()

                        def _wait_prev():
                            pltpu.make_async_copy(
                                obuf, acc_sh.at[dsti_v.at[0]], ossem).wait()

                        if b2 == 0:
                            pl.when(t >= 1)(_wait_prev)
                        else:
                            _wait_prev()
                        nj = j + 1

                        @pl.when(nj < PH_ROWS)
                        def _():
                            pltpu.async_copy(g.at[srci_v.at[nj]], obuf,
                                             ogsem)

                        pltpu.async_copy(buf, acc_sh.at[dsti_v.at[j]], ssem,
                                         add=True)

                pltpu.make_async_copy(bufs[1], acc_sh.at[dsti_v.at[0]],
                                      ssems[1]).wait()

    plsc.subcore_barrier()
    for cc in range(NC):
        @pl.when(c == cc)
        def _(cc=cc):
            pltpu.sync_copy(acc_sh.at[seg], acc_hbm.at[cc].at[seg])

            @pl.when(s == NS - 1)
            def _():
                pltpu.sync_copy(acc_sh.at[tail], acc_hbm.at[cc].at[tail])


_scatter_call = pl.kernel(
    _scatter_body,
    out_type=jax.ShapeDtypeStruct((NC, N, HALF), jnp.float32),
    mesh=_MESH,
    scratch_types=[
        pltpu.VMEM((PH_ROWS, K), jnp.int32),
        pltpu.VMEM((PH_ROWS, K), jnp.int32),
        pltpu.VMEM((K, HALF), jnp.float32),
        pltpu.VMEM((K, HALF), jnp.float32),
        pltpu.SemaphoreType.DMA,
        pltpu.SemaphoreType.DMA,
        pltpu.SemaphoreType.DMA,
        pltpu.SemaphoreType.DMA,
        pltpu.VMEM_SHARED((N, HALF), jnp.float32),
    ],
)


_RB = 2000


def _mm_body(x_ref, w_ref, dinv_ref, o_ref):
    acc = jnp.dot(x_ref[...], w_ref[...], preferred_element_type=jnp.float32)
    o_ref[0] = acc * dinv_ref[...]


_mm_call = pl.pallas_call(
    _mm_body,
    grid=(N // _RB, NC),
    in_specs=[
        pl.BlockSpec((_RB, D), lambda i, c: (i, 0)),
        pl.BlockSpec((D, HALF), lambda i, c: (0, c)),
        pl.BlockSpec((_RB, 1), lambda i, c: (i, 0)),
    ],
    out_specs=pl.BlockSpec((1, _RB, HALF), lambda i, c: (c, i, 0)),
    out_shape=jax.ShapeDtypeStruct((NC, N, HALF), jnp.float32),
)


def _pool_body(acc_ref, dinv_ref, b_ref, ct_ref, o_ref, cnt_ref):
    i = pl.program_id(0)

    @pl.when(i == 0)
    def _():
        o_ref[...] = jnp.zeros_like(o_ref)
        cnt_ref[...] = jnp.zeros_like(cnt_ref)

    rows = jnp.concatenate([acc_ref[0], acc_ref[1]], axis=1)
    h = jnp.maximum(rows * dinv_ref[...] + b_ref[...], 0.0)
    onehot = (lax.broadcasted_iota(jnp.int32, (T, _RB), 0)
              == ct_ref[0]).astype(jnp.float32)
    o_ref[...] += jnp.dot(onehot, h, preferred_element_type=jnp.float32)
    cnt_ref[...] += jnp.sum(onehot, axis=1, keepdims=True)

    @pl.when(i == pl.num_programs(0) - 1)
    def _():
        o_ref[...] = o_ref[...] / jnp.maximum(cnt_ref[...], 1.0)


_pool_call = pl.pallas_call(
    _pool_body,
    grid=(N // _RB,),
    in_specs=[
        pl.BlockSpec((NC, _RB, HALF), lambda i: (0, i, 0)),
        pl.BlockSpec((_RB, 1), lambda i: (i, 0)),
        pl.BlockSpec((1, D), lambda i: (0, 0)),
        pl.BlockSpec((1, 1, _RB), lambda i: (i, 0, 0)),
    ],
    out_specs=pl.BlockSpec((T, D), lambda i: (0, 0)),
    out_shape=jax.ShapeDtypeStruct((T, D), jnp.float32),
    scratch_shapes=[pltpu.VMEM((T, 1), jnp.float32)],
)


def kernel(x, edge_index, batch, cell_type_batch, W, b):
    src = edge_index[0].reshape(EROWS, K)
    dst = edge_index[1].reshape(EROWS, K)
    dstp = jnp.pad(edge_index[1].reshape(NW, EPW),
                   ((0, 0), (0, EPW_PAD - EPW)))[:, None, :]
    degp = _deg_call(dstp, jnp.zeros((N,), jnp.float32))
    deg = jnp.sum(degp[:, 0, :], axis=0) + 1.0
    dinv = lax.rsqrt(deg).reshape(N, 1)
    g2 = _mm_call(x, W, dinv)
    acc2 = _scatter_call(g2, src, dst)
    return _pool_call(acc2, dinv, b.reshape(1, D),
                      cell_type_batch.reshape(N // _RB, 1, _RB))

# --- scband reference (transcript-rebuilt; emitter-appended) ---
"""Pipeline reference for scband-hierarchical-gnn-17635135717843 (READ-ONLY COPY).

The authoritative reference and input builder live on the scoring server;
editing this copy changes nothing except your own understanding.
"""

import jax, jax.numpy as jnp
import numpy as np

N = 10000
E = 160000
D_IN = 256
D_HID = 256
N_TYPES = 100


def setup_inputs(seed: int = 0) -> dict:
    key = jax.random.key(seed)
    k1, k2, k3, k4 = jax.random.split(key, 4)
    x = jax.random.normal(k1, (N, D_IN), dtype=jnp.float32)
    edge_index = jax.random.randint(k2, (2, E), 0, N, dtype=jnp.int32)
    batch = jnp.zeros((N,), dtype=jnp.int32)
    cell_type_batch = jnp.sort(jax.random.randint(k3, (N,), 0, N_TYPES, dtype=jnp.int32))
    # cell_conv params (GCNConv: lin weight [in,out] without bias + separate bias)
    W = jax.random.normal(k4, (D_IN, D_HID), dtype=jnp.float32) * 0.05
    b = jnp.zeros((D_HID,), dtype=jnp.float32)
    return {"x": x, "edge_index": edge_index, "batch": batch,
            "cell_type_batch": cell_type_batch, "W": W, "b": b}


def _gcn_conv(x, edge_index, W, b):
    n = x.shape[0]
    loops = jnp.arange(n, dtype=edge_index.dtype)
    src = jnp.concatenate([edge_index[0], loops])
    dst = jnp.concatenate([edge_index[1], loops])
    deg = jax.ops.segment_sum(jnp.ones_like(dst, dtype=x.dtype), dst, num_segments=n)
    dinv = jnp.where(deg > 0, 1.0 / jnp.sqrt(deg), 0.0)
    norm = dinv[src] * dinv[dst]
    h = x @ W
    msg = h[src] * norm[:, None]
    out = jax.ops.segment_sum(msg, dst, num_segments=n)
    return out + b


def reference(x, edge_index, batch, cell_type_batch, W, b):
    # cell-level GCN conv + ReLU
    h = jax.nn.relu(_gcn_conv(x, edge_index, W, b))
    # global_mean_pool over cell_type_batch (scatter-mean, count clamped at 1)
    s = jax.ops.segment_sum(h, cell_type_batch, num_segments=N_TYPES)
    cnt = jax.ops.segment_sum(jnp.ones((h.shape[0],), dtype=h.dtype), cell_type_batch, num_segments=N_TYPES)
    pooled = s / jnp.maximum(cnt, 1.0)[:, None]
    return pooled

if __name__ == "__main__":
    import jax
    _d = setup_inputs()
    print(jax.jit(kernel)(*tuple(_d.values())))

</pallas_src>

<mosaic_0001>
#map = affine_map<(d0, d1) -> (0, 0, 0)>
#map1 = affine_map<(d0, d1) -> (0)>
module attributes {stable_mosaic.version = 14 : i64} {
  func.func @_deg_body(%arg0: i32, %arg1: i32, %arg2: memref<32x1x5008xi32, #tpu.memory_space<hbm>>, %arg3: memref<10000xf32, #tpu.memory_space<hbm>>, %arg4: memref<32x1x10000xf32, #tpu.memory_space<hbm>>, %arg5: memref<5008xi32, #tpu.memory_space<vmem>>, %arg6: memref<10000xf32, #tpu.memory_space<vmem>>) attributes {dimension_semantics = [#tpu.dimension_semantics<core_parallel>, #tpu.dimension_semantics<subcore_parallel>], iteration_bounds = array<i64: 2, 16>, scalar_prefetch = 0 : i64, scratch_operands = 2 : i64, tpu.core_type = #tpu.core_type<sc_vector_subcore>, window_params = [{transform_indices = #map}, {transform_indices = #map1}, {transform_indices = #map}]} {
    %mul3A = arith.constant 16 : i32
    %mul3A_0 = arith.muli %arg0, %mul3A : i32
    %add3A = arith.addi %mul3A_0, %arg1 : i32
    "tpu.region"() ({
      %run_scoped3A_7 = tpu.sem_alloc : memref<!tpu.dma_semaphore, #tpu.memory_space<semaphore_mem>>
      tpu.enqueue_dma source(%arg3 : memref<10000xf32, #tpu.memory_space<hbm>>) target(%arg6 : memref<10000xf32, #tpu.memory_space<vmem>>) target_semaphore(%run_scoped3A_7 : memref<!tpu.dma_semaphore, #tpu.memory_space<semaphore_mem>>)
      tpu.wait_dma2 semaphore(%run_scoped3A_7 : memref<!tpu.dma_semaphore, #tpu.memory_space<semaphore_mem>>) src(%arg3 : memref<10000xf32, #tpu.memory_space<hbm>>) dst(%arg6 : memref<10000xf32, #tpu.memory_space<vmem>>)
      tpu.yield
    }) : () -> ()
    %run_scoped3A = arith.constant 0 : i32
    "tpu.region"() ({
      %run_scoped3A_7 = tpu.sem_alloc : memref<!tpu.dma_semaphore, #tpu.memory_space<semaphore_mem>>
      %dma_start3A = arith.constant 0 : i32
      %dma_start3A_8 = arith.constant 0 : i32
      %dma_start3A_9 = tpu.memref_slice %arg2[%add3A, %dma_start3A, %dma_start3A_8] : memref<32x1x5008xi32, #tpu.memory_space<hbm>> -> memref<1x1x5008xi32, #tpu.memory_space<hbm>>
      %dma_start3A_10 = tpu.memref_squeeze %dma_start3A_9 : memref<1x1x5008xi32, #tpu.memory_space<hbm>> -> memref<1x5008xi32, #tpu.memory_space<hbm>>
      %dma_start3A_11 = arith.constant 0 : i32
      %dma_start3A_12 = tpu.memref_slice %dma_start3A_10[%run_scoped3A, %dma_start3A_11] : memref<1x5008xi32, #tpu.memory_space<hbm>> -> memref<1x5008xi32, #tpu.memory_space<hbm>>
      %dma_start3A_13 = tpu.memref_squeeze %dma_start3A_12 : memref<1x5008xi32, #tpu.memory_space<hbm>> -> memref<5008xi32, #tpu.memory_space<hbm>>
      %dma_start3A_14 = arith.constant 0 : i32
      %dma_start3A_15 = arith.constant 0 : i32
      %dma_start3A_16 = tpu.memref_slice %arg2[%add3A, %dma_start3A_14, %dma_start3A_15] : memref<32x1x5008xi32, #tpu.memory_space<hbm>> -> memref<1x1x5008xi32, #tpu.memory_space<hbm>>
      %dma_start3A_17 = tpu.memref_squeeze %dma_start3A_16 : memref<1x1x5008xi32, #tpu.memory_space<hbm>> -> memref<1x5008xi32, #tpu.memory_space<hbm>>
      %dma_start3A_18 = arith.constant 0 : i32
      %dma_start3A_19 = tpu.memref_slice %dma_start3A_17[%run_scoped3A, %dma_start3A_18] : memref<1x5008xi32, #tpu.memory_space<hbm>> -> memref<1x5008xi32, #tpu.memory_space<hbm>>
      %dma_start3A_20 = tpu.memref_squeeze %dma_start3A_19 : memref<1x5008xi32, #tpu.memory_space<hbm>> -> memref<5008xi32, #tpu.memory_space<hbm>>
      tpu.enqueue_dma source(%dma_start3A_20 : memref<5008xi32, #tpu.memory_space<hbm>>) target(%arg5 : memref<5008xi32, #tpu.memory_space<vmem>>) target_semaphore(%run_scoped3A_7 : memref<!tpu.dma_semaphore, #tpu.memory_space<semaphore_mem>>)
      %dma_wait3A = arith.constant 0 : i32
      %dma_wait3A_21 = arith.constant 0 : i32
      %dma_wait3A_22 = tpu.memref_slice %arg2[%add3A, %dma_wait3A, %dma_wait3A_21] : memref<32x1x5008xi32, #tpu.memory_space<hbm>> -> memref<1x1x5008xi32, #tpu.memory_space<hbm>>
      %dma_wait3A_23 = tpu.memref_squeeze %dma_wait3A_22 : memref<1x1x5008xi32, #tpu.memory_space<hbm>> -> memref<1x5008xi32, #tpu.memory_space<hbm>>
      %dma_wait3A_24 = arith.constant 0 : i32
      %dma_wait3A_25 = tpu.memref_slice %dma_wait3A_23[%run_scoped3A, %dma_wait3A_24] : memref<1x5008xi32, #tpu.memory_space<hbm>> -> memref<1x5008xi32, #tpu.memory_space<hbm>>
      %dma_wait3A_26 = tpu.memref_squeeze %dma_wait3A_25 : memref<1x5008xi32, #tpu.memory_space<hbm>> -> memref<5008xi32, #tpu.memory_space<hbm>>
      %dma_wait3A_27 = arith.constant 0 : i32
      %dma_wait3A_28 = arith.constant 0 : i32
      %dma_wait3A_29 = tpu.memref_slice %arg2[%add3A, %dma_wait3A_27, %dma_wait3A_28] : memref<32x1x5008xi32, #tpu.memory_space<hbm>> -> memref<1x1x5008xi32, #tpu.memory_space<hbm>>
      %dma_wait3A_30 = tpu.memref_squeeze %dma_wait3A_29 : memref<1x1x5008xi32, #tpu.memory_space<hbm>> -> memref<1x5008xi32, #tpu.memory_space<hbm>>
      %dma_wait3A_31 = arith.constant 0 : i32
      %dma_wait3A_32 = tpu.memref_slice %dma_wait3A_30[%run_scoped3A, %dma_wait3A_31] : memref<1x5008xi32, #tpu.memory_space<hbm>> -> memref<1x5008xi32, #tpu.memory_space<hbm>>
      %dma_wait3A_33 = tpu.memref_squeeze %dma_wait3A_32 : memref<1x5008xi32, #tpu.memory_space<hbm>> -> memref<5008xi32, #tpu.memory_space<hbm>>
      tpu.wait_dma2 semaphore(%run_scoped3A_7 : memref<!tpu.dma_semaphore, #tpu.memory_space<semaphore_mem>>) src(%dma_wait3A_33 : memref<5008xi32, #tpu.memory_space<hbm>>) dst(%arg5 : memref<5008xi32, #tpu.memory_space<vmem>>)
      tpu.yield
    }) : () -> ()
    %broadcast_in_dim3A = arith.constant 1.000000e+00 : f32
    %broadcast_in_dim3A_1 = vector.broadcast %broadcast_in_dim3A : f32 to vector<16xf32>
    %iota3A = tpu.iota {dimensions = array<i32: 0>} : vector<16xi32>
    %scan3A = arith.constant 0 : i32
    %scan3A_2 = arith.constant 313 : i32
    %scan3A_3 = arith.addi %scan3A, %scan3A_2 : i32
    %scan3A_4 = arith.constant 1 : i32
    scf.for %scan3A_7 = %scan3A to %scan3A_3 step %scan3A_4  : i32 {
      %mul3A_8 = arith.constant 1 : i32
      %mul3A_9 = arith.muli %scan3A_7, %mul3A_8 : i32
      %add3A_10 = arith.constant 0 : i32
      %add3A_11 = arith.addi %add3A_10, %mul3A_9 : i32
      %mul3A_12 = arith.constant 16 : i32
      %mul3A_13 = arith.muli %add3A_11, %mul3A_12 : i32
      %add3A_14 = vector.broadcast %mul3A_13 : i32 to vector<16xi32>
      %add3A_15 = arith.addi %iota3A, %add3A_14 : vector<16xi32>
      %gather3A = tpu.vector_load_idx %arg5[%add3A_15] : memref<5008xi32, #tpu.memory_space<vmem>>[vector<16xi32>], vector<16xi32>,
      %add3A_16 = vector.broadcast %mul3A_13 : i32 to vector<16xi32>
      %add3A_17 = arith.addi %iota3A, %add3A_16 : vector<16xi32>
      %lt3A = arith.constant 5000 : i32
      %lt3A_18 = vector.broadcast %lt3A : i32 to vector<16xi32>
      %lt3A_19 = arith.cmpi slt, %add3A_17, %lt3A_18 : vector<16xi32>
      tpu.vector_store_idx %arg6[%gather3A], %broadcast_in_dim3A_1 masked %lt3A_19 {add = true} : memref<10000xf32, #tpu.memory_space<vmem>>[vector<16xi32>], vector<16xf32>, vector<16xi1>
    }
    %scan3A_5 = arith.constant 313 : i32
    %run_scoped3A_6 = arith.constant 0 : i32
    "tpu.region"() ({
      %run_scoped3A_7 = tpu.sem_alloc : memref<!tpu.dma_semaphore, #tpu.memory_space<semaphore_mem>>
      %dma_start3A = arith.constant 0 : i32
      %dma_start3A_8 = arith.constant 0 : i32
      %dma_start3A_9 = tpu.memref_slice %arg4[%add3A, %dma_start3A, %dma_start3A_8] : memref<32x1x10000xf32, #tpu.memory_space<hbm>> -> memref<1x1x10000xf32, #tpu.memory_space<hbm>>
      %dma_start3A_10 = tpu.memref_squeeze %dma_start3A_9 : memref<1x1x10000xf32, #tpu.memory_space<hbm>> -> memref<1x10000xf32, #tpu.memory_space<hbm>>
      %dma_start3A_11 = arith.constant 0 : i32
      %dma_start3A_12 = tpu.memref_slice %dma_start3A_10[%run_scoped3A_6, %dma_start3A_11] : memref<1x10000xf32, #tpu.memory_space<hbm>> -> memref<1x10000xf32, #tpu.memory_space<hbm>>
      %dma_start3A_13 = tpu.memref_squeeze %dma_start3A_12 : memref<1x10000xf32, #tpu.memory_space<hbm>> -> memref<10000xf32, #tpu.memory_space<hbm>>
      %dma_start3A_14 = arith.constant 0 : i32
      %dma_start3A_15 = arith.constant 0 : i32
      %dma_start3A_16 = tpu.memref_slice %arg4[%add3A, %dma_start3A_14, %dma_start3A_15] : memref<32x1x10000xf32, #tpu.memory_space<hbm>> -> memref<1x1x10000xf32, #tpu.memory_space<hbm>>
      %dma_start3A_17 = tpu.memref_squeeze %dma_start3A_16 : memref<1x1x10000xf32, #tpu.memory_space<hbm>> -> memref<1x10000xf32, #tpu.memory_space<hbm>>
      %dma_start3A_18 = arith.constant 0 : i32
      %dma_start3A_19 = tpu.memref_slice %dma_start3A_17[%run_scoped3A_6, %dma_start3A_18] : memref<1x10000xf32, #tpu.memory_space<hbm>> -> memref<1x10000xf32, #tpu.memory_space<hbm>>
      %dma_start3A_20 = tpu.memref_squeeze %dma_start3A_19 : memref<1x10000xf32, #tpu.memory_space<hbm>> -> memref<10000xf32, #tpu.memory_space<hbm>>
      tpu.enqueue_dma source(%arg6 : memref<10000xf32, #tpu.memory_space<vmem>>) target(%dma_start3A_20 : memref<10000xf32, #tpu.memory_space<hbm>>) target_semaphore(%run_scoped3A_7 : memref<!tpu.dma_semaphore, #tpu.memory_space<semaphore_mem>>)
      %dma_wait3A = arith.constant 0 : i32
      %dma_wait3A_21 = arith.constant 0 : i32
      %dma_wait3A_22 = tpu.memref_slice %arg4[%add3A, %dma_wait3A, %dma_wait3A_21] : memref<32x1x10000xf32, #tpu.memory_space<hbm>> -> memref<1x1x10000xf32, #tpu.memory_space<hbm>>
      %dma_wait3A_23 = tpu.memref_squeeze %dma_wait3A_22 : memref<1x1x10000xf32, #tpu.memory_space<hbm>> -> memref<1x10000xf32, #tpu.memory_space<hbm>>
      %dma_wait3A_24 = arith.constant 0 : i32
      %dma_wait3A_25 = tpu.memref_slice %dma_wait3A_23[%run_scoped3A_6, %dma_wait3A_24] : memref<1x10000xf32, #tpu.memory_space<hbm>> -> memref<1x10000xf32, #tpu.memory_space<hbm>>
      %dma_wait3A_26 = tpu.memref_squeeze %dma_wait3A_25 : memref<1x10000xf32, #tpu.memory_space<hbm>> -> memref<10000xf32, #tpu.memory_space<hbm>>
      %dma_wait3A_27 = arith.constant 0 : i32
      %dma_wait3A_28 = arith.constant 0 : i32
      %dma_wait3A_29 = tpu.memref_slice %arg4[%add3A, %dma_wait3A_27, %dma_wait3A_28] : memref<32x1x10000xf32, #tpu.memory_space<hbm>> -> memref<1x1x10000xf32, #tpu.memory_space<hbm>>
      %dma_wait3A_30 = tpu.memref_squeeze %dma_wait3A_29 : memref<1x1x10000xf32, #tpu.memory_space<hbm>> -> memref<1x10000xf32, #tpu.memory_space<hbm>>
      %dma_wait3A_31 = arith.constant 0 : i32
      %dma_wait3A_32 = tpu.memref_slice %dma_wait3A_30[%run_scoped3A_6, %dma_wait3A_31] : memref<1x10000xf32, #tpu.memory_space<hbm>> -> memref<1x10000xf32, #tpu.memory_space<hbm>>
      %dma_wait3A_33 = tpu.memref_squeeze %dma_wait3A_32 : memref<1x10000xf32, #tpu.memory_space<hbm>> -> memref<10000xf32, #tpu.memory_space<hbm>>
      tpu.wait_dma2 semaphore(%run_scoped3A_7 : memref<!tpu.dma_semaphore, #tpu.memory_space<semaphore_mem>>) src(%arg6 : memref<10000xf32, #tpu.memory_space<vmem>>) dst(%dma_wait3A_33 : memref<10000xf32, #tpu.memory_space<hbm>>)
      tpu.yield
    }) : () -> ()
    return
  }
}

#map = affine_map<(d0, d1) -> (0, 0, 0)>
#map1 = affine_map<(d0, d1) -> (0, 0)>
module attributes {stable_mosaic.version = 14 : i64} {
  func.func @_scatter_body(%arg0: i32, %arg1: i32, %arg2: memref<2x10000x128xf32, #tpu.memory_space<hbm>>, %arg3: memref<1280x125xi32, #tpu.memory_space<hbm>>, %arg4: memref<1280x125xi32, #tpu.memory_space<hbm>>, %arg5: memref<2x10000x128xf32, #tpu.memory_space<hbm>>, %arg6: memref<40x125xi32, #tpu.memory_space<vmem>>, %arg7: memref<40x125xi32, #tpu.memory_space<vmem>>, %arg8: memref<125x128xf32, #tpu.memory_space<vmem>>, %arg9: memref<125x128xf32, #tpu.memory_space<vmem>>, %arg10: memref<!tpu.dma_semaphore, #tpu.memory_space<semaphore_mem>>, %arg11: memref<!tpu.dma_semaphore, #tpu.memory_space<semaphore_mem>>, %arg12: memref<!tpu.dma_semaphore, #tpu.memory_space<semaphore_mem>>, %arg13: memref<!tpu.dma_semaphore, #tpu.memory_space<semaphore_mem>>, %arg14: memref<10000x128xf32, #tpu.memory_space<vmem_shared>>) attributes {dimension_semantics = [#tpu.dimension_semantics<core_parallel>, #tpu.dimension_semantics<subcore_parallel>], iteration_bounds = array<i64: 2, 16>, scalar_prefetch = 0 : i64, scratch_operands = 9 : i64, tpu.core_type = #tpu.core_type<sc_vector_subcore>, window_params = [{transform_indices = #map}, {transform_indices = #map1}, {transform_indices = #map1}, {transform_indices = #map}]} {
    %mul3A = arith.constant 624 : i32
    %mul3A_0 = arith.muli %arg1, %mul3A : i32
    %eq3A = arith.constant 0 : i32
    %eq3A_1 = arith.cmpi eq, %arg0, %eq3A : i32
    %convert_element_type3A = arith.extui %eq3A_1 : i1 to i32
    %cond3A = arith.constant 0 : i32
    %cond3A_2 = arith.cmpi ne, %convert_element_type3A, %cond3A : i32
    scf.if %cond3A_2 {
      %run_scoped3A = arith.constant 0 : i32
      "tpu.region"() ({
        %run_scoped3A_34 = tpu.sem_alloc : memref<!tpu.dma_semaphore, #tpu.memory_space<semaphore_mem>>
        %dma_start3A = arith.constant 0 : i32
        %dma_start3A_35 = tpu.memref_slice %arg14[%mul3A_0, %dma_start3A] : memref<10000x128xf32, #tpu.memory_space<vmem_shared>> -> memref<624x128xf32, #tpu.memory_space<vmem_shared>>
        %dma_start3A_36 = arith.constant 0 : i32
        %dma_start3A_37 = arith.constant 0 : i32
        %dma_start3A_38 = tpu.memref_slice %arg2[%run_scoped3A, %dma_start3A_36, %dma_start3A_37] : memref<2x10000x128xf32, #tpu.memory_space<hbm>> -> memref<1x10000x128xf32, #tpu.memory_space<hbm>>
        %dma_start3A_39 = tpu.memref_squeeze %dma_start3A_38 : memref<1x10000x128xf32, #tpu.memory_space<hbm>> -> memref<10000x128xf32, #tpu.memory_space<hbm>>
        %dma_start3A_40 = arith.constant 0 : i32
        %dma_start3A_41 = tpu.memref_slice %dma_start3A_39[%mul3A_0, %dma_start3A_40] : memref<10000x128xf32, #tpu.memory_space<hbm>> -> memref<624x128xf32, #tpu.memory_space<hbm>>
        tpu.enqueue_dma source(%dma_start3A_41 : memref<624x128xf32, #tpu.memory_space<hbm>>) target(%dma_start3A_35 : memref<624x128xf32, #tpu.memory_space<vmem_shared>>) target_semaphore(%run_scoped3A_34 : memref<!tpu.dma_semaphore, #tpu.memory_space<semaphore_mem>>)
        %dma_wait3A = arith.constant 0 : i32
        %dma_wait3A_42 = tpu.memref_slice %arg14[%mul3A_0, %dma_wait3A] : memref<10000x128xf32, #tpu.memory_space<vmem_shared>> -> memref<624x128xf32, #tpu.memory_space<vmem_shared>>
        %dma_wait3A_43 = arith.constant 0 : i32
        %dma_wait3A_44 = arith.constant 0 : i32
        %dma_wait3A_45 = tpu.memref_slice %arg2[%run_scoped3A, %dma_wait3A_43, %dma_wait3A_44] : memref<2x10000x128xf32, #tpu.memory_space<hbm>> -> memref<1x10000x128xf32, #tpu.memory_space<hbm>>
        %dma_wait3A_46 = tpu.memref_squeeze %dma_wait3A_45 : memref<1x10000x128xf32, #tpu.memory_space<hbm>> -> memref<10000x128xf32, #tpu.memory_space<hbm>>
        %dma_wait3A_47 = arith.constant 0 : i32
        %dma_wait3A_48 = tpu.memref_slice %dma_wait3A_46[%mul3A_0, %dma_wait3A_47] : memref<10000x128xf32, #tpu.memory_space<hbm>> -> memref<624x128xf32, #tpu.memory_space<hbm>>
        tpu.wait_dma2 semaphore(%run_scoped3A_34 : memref<!tpu.dma_semaphore, #tpu.memory_space<semaphore_mem>>) src(%dma_wait3A_48 : memref<624x128xf32, #tpu.memory_space<hbm>>) dst(%dma_wait3A_42 : memref<624x128xf32, #tpu.memory_space<vmem_shared>>)
        tpu.yield
      }) : () -> ()
      %eq3A_29 = arith.constant 15 : i32
      %eq3A_30 = arith.cmpi eq, %arg1, %eq3A_29 : i32
      %convert_element_type3A_31 = arith.extui %eq3A_30 : i1 to i32
      %cond3A_32 = arith.constant 0 : i32
      %cond3A_33 = arith.cmpi ne, %convert_element_type3A_31, %cond3A_32 : i32
      scf.if %cond3A_33 {
        %run_scoped3A_34 = arith.constant 0 : i32
        "tpu.region"() ({
          %run_scoped3A_35 = tpu.sem_alloc : memref<!tpu.dma_semaphore, #tpu.memory_space<semaphore_mem>>
          %dma_start3A = arith.constant 9984 : i32
          %dma_start3A_36 = arith.constant 0 : i32
          %dma_start3A_37 = tpu.memref_slice %arg14[%dma_start3A, %dma_start3A_36] : memref<10000x128xf32, #tpu.memory_space<vmem_shared>> -> memref<16x128xf32, #tpu.memory_space<vmem_shared>>
          %dma_start3A_38 = arith.constant 0 : i32
          %dma_start3A_39 = arith.constant 0 : i32
          %dma_start3A_40 = tpu.memref_slice %arg2[%run_scoped3A_34, %dma_start3A_38, %dma_start3A_39] : memref<2x10000x128xf32, #tpu.memory_space<hbm>> -> memref<1x10000x128xf32, #tpu.memory_space<hbm>>
          %dma_start3A_41 = tpu.memref_squeeze %dma_start3A_40 : memref<1x10000x128xf32, #tpu.memory_space<hbm>> -> memref<10000x128xf32, #tpu.memory_space<hbm>>
          %dma_start3A_42 = arith.constant 9984 : i32
          %dma_start3A_43 = arith.constant 0 : i32
          %dma_start3A_44 = tpu.memref_slice %dma_start3A_41[%dma_start3A_42, %dma_start3A_43] : memref<10000x128xf32, #tpu.memory_space<hbm>> -> memref<16x128xf32, #tpu.memory_space<hbm>>
          tpu.enqueue_dma source(%dma_start3A_44 : memref<16x128xf32, #tpu.memory_space<hbm>>) target(%dma_start3A_37 : memref<16x128xf32, #tpu.memory_space<vmem_shared>>) target_semaphore(%run_scoped3A_35 : memref<!tpu.dma_semaphore, #tpu.memory_space<semaphore_mem>>)
          %dma_wait3A = arith.constant 9984 : i32
          %dma_wait3A_45 = arith.constant 0 : i32
          %dma_wait3A_46 = tpu.memref_slice %arg14[%dma_wait3A, %dma_wait3A_45] : memref<10000x128xf32, #tpu.memory_space<vmem_shared>> -> memref<16x128xf32, #tpu.memory_space<vmem_shared>>
          %dma_wait3A_47 = arith.constant 0 : i32
          %dma_wait3A_48 = arith.constant 0 : i32
          %dma_wait3A_49 = tpu.memref_slice %arg2[%run_scoped3A_34, %dma_wait3A_47, %dma_wait3A_48] : memref<2x10000x128xf32, #tpu.memory_space<hbm>> -> memref<1x10000x128xf32, #tpu.memory_space<hbm>>
          %dma_wait3A_50 = tpu.memref_squeeze %dma_wait3A_49 : memref<1x10000x128xf32, #tpu.memory_space<hbm>> -> memref<10000x128xf32, #tpu.memory_space<hbm>>
          %dma_wait3A_51 = arith.constant 9984 : i32
          %dma_wait3A_52 = arith.constant 0 : i32
          %dma_wait3A_53 = tpu.memref_slice %dma_wait3A_50[%dma_wait3A_51, %dma_wait3A_52] : memref<10000x128xf32, #tpu.memory_space<hbm>> -> memref<16x128xf32, #tpu.memory_space<hbm>>
          tpu.wait_dma2 semaphore(%run_scoped3A_35 : memref<!tpu.dma_semaphore, #tpu.memory_space<semaphore_mem>>) src(%dma_wait3A_53 : memref<16x128xf32, #tpu.memory_space<hbm>>) dst(%dma_wait3A_46 : memref<16x128xf32, #tpu.memory_space<vmem_shared>>)
          tpu.yield
        }) : () -> ()
      } else {
      }
    } else {
    }
    %eq3A_3 = arith.constant 1 : i32
    %eq3A_4 = arith.cmpi eq, %arg0, %eq3A_3 : i32
    %convert_element_type3A_5 = arith.extui %eq3A_4 : i1 to i32
    %cond3A_6 = arith.constant 0 : i32
    %cond3A_7 = arith.cmpi ne, %convert_element_type3A_5, %cond3A_6 : i32
    scf.if %cond3A_7 {
      %run_scoped3A = arith.constant 1 : i32
      "tpu.region"() ({
        %run_scoped3A_34 = tpu.sem_alloc : memref<!tpu.dma_semaphore, #tpu.memory_space<semaphore_mem>>
        %dma_start3A = arith.constant 0 : i32
        %dma_start3A_35 = tpu.memref_slice %arg14[%mul3A_0, %dma_start3A] : memref<10000x128xf32, #tpu.memory_space<vmem_shared>> -> memref<624x128xf32, #tpu.memory_space<vmem_shared>>
        %dma_start3A_36 = arith.constant 0 : i32
        %dma_start3A_37 = arith.constant 0 : i32
        %dma_start3A_38 = tpu.memref_slice %arg2[%run_scoped3A, %dma_start3A_36, %dma_start3A_37] : memref<2x10000x128xf32, #tpu.memory_space<hbm>> -> memref<1x10000x128xf32, #tpu.memory_space<hbm>>
        %dma_start3A_39 = tpu.memref_squeeze %dma_start3A_38 : memref<1x10000x128xf32, #tpu.memory_space<hbm>> -> memref<10000x128xf32, #tpu.memory_space<hbm>>
        %dma_start3A_40 = arith.constant 0 : i32
        %dma_start3A_41 = tpu.memref_slice %dma_start3A_39[%mul3A_0, %dma_start3A_40] : memref<10000x128xf32, #tpu.memory_space<hbm>> -> memref<624x128xf32, #tpu.memory_space<hbm>>
        tpu.enqueue_dma source(%dma_start3A_41 : memref<624x128xf32, #tpu.memory_space<hbm>>) target(%dma_start3A_35 : memref<624x128xf32, #tpu.memory_space<vmem_shared>>) target_semaphore(%run_scoped3A_34 : memref<!tpu.dma_semaphore, #tpu.memory_space<semaphore_mem>>)
        %dma_wait3A = arith.constant 0 : i32
        %dma_wait3A_42 = tpu.memref_slice %arg14[%mul3A_0, %dma_wait3A] : memref<10000x128xf32, #tpu.memory_space<vmem_shared>> -> memref<624x128xf32, #tpu.memory_space<vmem_shared>>
        %dma_wait3A_43 = arith.constant 0 : i32
        %dma_wait3A_44 = arith.constant 0 : i32
        %dma_wait3A_45 = tpu.memref_slice %arg2[%run_scoped3A, %dma_wait3A_43, %dma_wait3A_44] : memref<2x10000x128xf32, #tpu.memory_space<hbm>> -> memref<1x10000x128xf32, #tpu.memory_space<hbm>>
        %dma_wait3A_46 = tpu.memref_squeeze %dma_wait3A_45 : memref<1x10000x128xf32, #tpu.memory_space<hbm>> -> memref<10000x128xf32, #tpu.memory_space<hbm>>
        %dma_wait3A_47 = arith.constant 0 : i32
        %dma_wait3A_48 = tpu.memref_slice %dma_wait3A_46[%mul3A_0, %dma_wait3A_47] : memref<10000x128xf32, #tpu.memory_space<hbm>> -> memref<624x128xf32, #tpu.memory_space<hbm>>
        tpu.wait_dma2 semaphore(%run_scoped3A_34 : memref<!tpu.dma_semaphore, #tpu.memory_space<semaphore_mem>>) src(%dma_wait3A_48 : memref<624x128xf32, #tpu.memory_space<hbm>>) dst(%dma_wait3A_42 : memref<624x128xf32, #tpu.memory_space<vmem_shared>>)
        tpu.yield
      }) : () -> ()
      %eq3A_29 = arith.constant 15 : i32
      %eq3A_30 = arith.cmpi eq, %arg1, %eq3A_29 : i32
      %convert_element_type3A_31 = arith.extui %eq3A_30 : i1 to i32
      %cond3A_32 = arith.constant 0 : i32
      %cond3A_33 = arith.cmpi ne, %convert_element_type3A_31, %cond3A_32 : i32
      scf.if %cond3A_33 {
        %run_scoped3A_34 = arith.constant 1 : i32
        "tpu.region"() ({
          %run_scoped3A_35 = tpu.sem_alloc : memref<!tpu.dma_semaphore, #tpu.memory_space<semaphore_mem>>
          %dma_start3A = arith.constant 9984 : i32
          %dma_start3A_36 = arith.constant 0 : i32
          %dma_start3A_37 = tpu.memref_slice %arg14[%dma_start3A, %dma_start3A_36] : memref<10000x128xf32, #tpu.memory_space<vmem_shared>> -> memref<16x128xf32, #tpu.memory_space<vmem_shared>>
          %dma_start3A_38 = arith.constant 0 : i32
          %dma_start3A_39 = arith.constant 0 : i32
          %dma_start3A_40 = tpu.memref_slice %arg2[%run_scoped3A_34, %dma_start3A_38, %dma_start3A_39] : memref<2x10000x128xf32, #tpu.memory_space<hbm>> -> memref<1x10000x128xf32, #tpu.memory_space<hbm>>
          %dma_start3A_41 = tpu.memref_squeeze %dma_start3A_40 : memref<1x10000x128xf32, #tpu.memory_space<hbm>> -> memref<10000x128xf32, #tpu.memory_space<hbm>>
          %dma_start3A_42 = arith.constant 9984 : i32
          %dma_start3A_43 = arith.constant 0 : i32
          %dma_start3A_44 = tpu.memref_slice %dma_start3A_41[%dma_start3A_42, %dma_start3A_43] : memref<10000x128xf32, #tpu.memory_space<hbm>> -> memref<16x128xf32, #tpu.memory_space<hbm>>
          tpu.enqueue_dma source(%dma_start3A_44 : memref<16x128xf32, #tpu.memory_space<hbm>>) target(%dma_start3A_37 : memref<16x128xf32, #tpu.memory_space<vmem_shared>>) target_semaphore(%run_scoped3A_35 : memref<!tpu.dma_semaphore, #tpu.memory_space<semaphore_mem>>)
          %dma_wait3A = arith.constant 9984 : i32
          %dma_wait3A_45 = arith.constant 0 : i32
          %dma_wait3A_46 = tpu.memref_slice %arg14[%dma_wait3A, %dma_wait3A_45] : memref<10000x128xf32, #tpu.memory_space<vmem_shared>> -> memref<16x128xf32, #tpu.memory_space<vmem_shared>>
          %dma_wait3A_47 = arith.constant 0 : i32
          %dma_wait3A_48 = arith.constant 0 : i32
          %dma_wait3A_49 = tpu.memref_slice %arg2[%run_scoped3A_34, %dma_wait3A_47, %dma_wait3A_48] : memref<2x10000x128xf32, #tpu.memory_space<hbm>> -> memref<1x10000x128xf32, #tpu.memory_space<hbm>>
          %dma_wait3A_50 = tpu.memref_squeeze %dma_wait3A_49 : memref<1x10000x128xf32, #tpu.memory_space<hbm>> -> memref<10000x128xf32, #tpu.memory_space<hbm>>
          %dma_wait3A_51 = arith.constant 9984 : i32
          %dma_wait3A_52 = arith.constant 0 : i32
          %dma_wait3A_53 = tpu.memref_slice %dma_wait3A_50[%dma_wait3A_51, %dma_wait3A_52] : memref<10000x128xf32, #tpu.memory_space<hbm>> -> memref<16x128xf32, #tpu.memory_space<hbm>>
          tpu.wait_dma2 semaphore(%run_scoped3A_35 : memref<!tpu.dma_semaphore, #tpu.memory_space<semaphore_mem>>) src(%dma_wait3A_53 : memref<16x128xf32, #tpu.memory_space<hbm>>) dst(%dma_wait3A_46 : memref<16x128xf32, #tpu.memory_space<vmem_shared>>)
          tpu.yield
        }) : () -> ()
      } else {
      }
    } else {
    }
    %barrier3A = arith.constant 0 : index
    tpu.barrier barrier_id(%barrier3A)
    %eq3A_8 = arith.constant 0 : i32
    %eq3A_9 = arith.cmpi eq, %arg0, %eq3A_8 : i32
    %convert_element_type3A_10 = arith.extui %eq3A_9 : i1 to i32
    %cond3A_11 = arith.constant 0 : i32
    %cond3A_12 = arith.cmpi ne, %convert_element_type3A_10, %cond3A_11 : i32
    scf.if %cond3A_12 {
      %mul3A_29 = arith.constant 80 : i32
      %mul3A_30 = arith.muli %arg1, %mul3A_29 : i32
      %add3A = arith.constant 0 : i32
      %add3A_31 = arith.addi %mul3A_30, %add3A : i32
      "tpu.region"() ({
        %run_scoped3A = tpu.sem_alloc : memref<!tpu.dma_semaphore, #tpu.memory_space<semaphore_mem>>
        %dma_start3A_83 = arith.constant 0 : i32
        %dma_start3A_84 = tpu.memref_slice %arg3[%add3A_31, %dma_start3A_83] : memref<1280x125xi32, #tpu.memory_space<hbm>> -> memref<40x125xi32, #tpu.memory_space<hbm>>
        %dma_start3A_85 = arith.constant 0 : i32
        %dma_start3A_86 = tpu.memref_slice %arg3[%add3A_31, %dma_start3A_85] : memref<1280x125xi32, #tpu.memory_space<hbm>> -> memref<40x125xi32, #tpu.memory_space<hbm>>
        tpu.enqueue_dma source(%dma_start3A_86 : memref<40x125xi32, #tpu.memory_space<hbm>>) target(%arg6 : memref<40x125xi32, #tpu.memory_space<vmem>>) target_semaphore(%run_scoped3A : memref<!tpu.dma_semaphore, #tpu.memory_space<semaphore_mem>>)
        %dma_wait3A_87 = arith.constant 0 : i32
        %dma_wait3A_88 = tpu.memref_slice %arg3[%add3A_31, %dma_wait3A_87] : memref<1280x125xi32, #tpu.memory_space<hbm>> -> memref<40x125xi32, #tpu.memory_space<hbm>>
        %dma_wait3A_89 = arith.constant 0 : i32
        %dma_wait3A_90 = tpu.memref_slice %arg3[%add3A_31, %dma_wait3A_89] : memref<1280x125xi32, #tpu.memory_space<hbm>> -> memref<40x125xi32, #tpu.memory_space<hbm>>
        tpu.wait_dma2 semaphore(%run_scoped3A : memref<!tpu.dma_semaphore, #tpu.memory_space<semaphore_mem>>) src(%dma_wait3A_90 : memref<40x125xi32, #tpu.memory_space<hbm>>) dst(%arg6 : memref<40x125xi32, #tpu.memory_space<vmem>>)
        tpu.yield
      }) : () -> ()
      "tpu.region"() ({
        %run_scoped3A = tpu.sem_alloc : memref<!tpu.dma_semaphore, #tpu.memory_space<semaphore_mem>>
        %dma_start3A_83 = arith.constant 0 : i32
        %dma_start3A_84 = tpu.memref_slice %arg4[%add3A_31, %dma_start3A_83] : memref<1280x125xi32, #tpu.memory_space<hbm>> -> memref<40x125xi32, #tpu.memory_space<hbm>>
        %dma_start3A_85 = arith.constant 0 : i32
        %dma_start3A_86 = tpu.memref_slice %arg4[%add3A_31, %dma_start3A_85] : memref<1280x125xi32, #tpu.memory_space<hbm>> -> memref<40x125xi32, #tpu.memory_space<hbm>>
        tpu.enqueue_dma source(%dma_start3A_86 : memref<40x125xi32, #tpu.memory_space<hbm>>) target(%arg7 : memref<40x125xi32, #tpu.memory_space<vmem>>) target_semaphore(%run_scoped3A : memref<!tpu.dma_semaphore, #tpu.memory_space<semaphore_mem>>)
        %dma_wait3A_87 = arith.constant 0 : i32
        %dma_wait3A_88 = tpu.memref_slice %arg4[%add3A_31, %dma_wait3A_87] : memref<1280x125xi32, #tpu.memory_space<hbm>> -> memref<40x125xi32, #tpu.memory_space<hbm>>
        %dma_wait3A_89 = arith.constant 0 : i32
        %dma_wait3A_90 = tpu.memref_slice %arg4[%add3A_31, %dma_wait3A_89] : memref<1280x125xi32, #tpu.memory_space<hbm>> -> memref<40x125xi32, #tpu.memory_space<hbm>>
        tpu.wait_dma2 semaphore(%run_scoped3A : memref<!tpu.dma_semaphore, #tpu.memory_space<semaphore_mem>>) src(%dma_wait3A_90 : memref<40x125xi32, #tpu.memory_space<hbm>>) dst(%arg7 : memref<40x125xi32, #tpu.memory_space<vmem>>)
        tpu.yield
      }) : () -> ()
      %dma_start3A = arith.constant 0 : i32
      %dma_start3A_32 = arith.constant 0 : i32
      %dma_start3A_33 = arith.constant 0 : i32
      %dma_start3A_34 = tpu.memref_slice %arg6[%dma_start3A_32, %dma_start3A_33] : memref<40x125xi32, #tpu.memory_space<vmem>> -> memref<1x125xi32, #tpu.memory_space<vmem>>
      %dma_start3A_35 = tpu.memref_squeeze %dma_start3A_34 : memref<1x125xi32, #tpu.memory_space<vmem>> -> memref<125xi32, #tpu.memory_space<vmem>>
      %dma_start3A_36 = arith.constant 0 : i32
      %dma_start3A_37 = arith.constant 0 : i32
      %dma_start3A_38 = tpu.memref_slice %arg2[%dma_start3A, %dma_start3A_36, %dma_start3A_37] : memref<2x10000x128xf32, #tpu.memory_space<hbm>> -> memref<1x10000x128xf32, #tpu.memory_space<hbm>>
      %dma_start3A_39 = tpu.memref_squeeze %dma_start3A_38 : memref<1x10000x128xf32, #tpu.memory_space<hbm>> -> memref<10000x128xf32, #tpu.memory_space<hbm>>
      %dma_start3A_40 = arith.constant 0 : i32
      %dma_start3A_41 = arith.constant 0 : i32
      %dma_start3A_42 = tpu.memref_slice %dma_start3A_39[%dma_start3A_40, %dma_start3A_41] : memref<10000x128xf32, #tpu.memory_space<hbm>> -> memref<10000x128xf32, #tpu.memory_space<hbm>>
      tpu.enqueue_indirect_dma source(%dma_start3A_42 : memref<10000x128xf32, #tpu.memory_space<hbm>>) target(%arg8 : memref<125x128xf32, #tpu.memory_space<vmem>>) offsets(%dma_start3A_35 : memref<125xi32, #tpu.memory_space<vmem>>) semaphore(%arg10 : memref<!tpu.dma_semaphore, #tpu.memory_space<semaphore_mem>>)
      %scan3A = arith.constant 0 : i32
      %scan3A_43 = arith.constant 0 : i32
      %scan3A_44 = arith.constant 20 : i32
      %scan3A_45 = arith.addi %scan3A_43, %scan3A_44 : i32
      %scan3A_46 = arith.constant 1 : i32
      scf.for %scan3A_83 = %scan3A_43 to %scan3A_45 step %scan3A_46  : i32 {
        %mul3A_84 = arith.constant 2 : i32
        %mul3A_85 = arith.muli %scan3A_83, %mul3A_84 : i32
        %add3A_86 = arith.constant 0 : i32
        %add3A_87 = arith.addi %add3A_86, %mul3A_85 : i32
        %add3A_88 = arith.constant 0 : i32
        %add3A_89 = arith.addi %add3A_87, %add3A_88 : i32
        %dma_wait3A_90 = arith.constant 0 : i32
        %dma_wait3A_91 = arith.constant 0 : i32
        %dma_wait3A_92 = tpu.memref_slice %arg6[%dma_wait3A_90, %dma_wait3A_91] : memref<40x125xi32, #tpu.memory_space<vmem>> -> memref<1x125xi32, #tpu.memory_space<vmem>>
        %dma_wait3A_93 = tpu.memref_squeeze %dma_wait3A_92 : memref<1x125xi32, #tpu.memory_space<vmem>> -> memref<125xi32, #tpu.memory_space<vmem>>
        %dma_wait3A_94 = arith.constant 0 : i32
        %dma_wait3A_95 = arith.constant 0 : i32
        %dma_wait3A_96 = tpu.memref_slice %arg2[%scan3A, %dma_wait3A_94, %dma_wait3A_95] : memref<2x10000x128xf32, #tpu.memory_space<hbm>> -> memref<1x10000x128xf32, #tpu.memory_space<hbm>>
        %dma_wait3A_97 = tpu.memref_squeeze %dma_wait3A_96 : memref<1x10000x128xf32, #tpu.memory_space<hbm>> -> memref<10000x128xf32, #tpu.memory_space<hbm>>
        %dma_wait3A_98 = arith.constant 0 : i32
        %dma_wait3A_99 = arith.constant 0 : i32
        %dma_wait3A_100 = tpu.memref_slice %dma_wait3A_97[%dma_wait3A_98, %dma_wait3A_99] : memref<10000x128xf32, #tpu.memory_space<hbm>> -> memref<10000x128xf32, #tpu.memory_space<hbm>>
        tpu.wait_indirect_dma semaphore(%arg10 : memref<!tpu.dma_semaphore, #tpu.memory_space<semaphore_mem>>) src(%dma_wait3A_100 : memref<10000x128xf32, #tpu.memory_space<hbm>>) dst(%arg8 : memref<125x128xf32, #tpu.memory_space<vmem>>)
        %ge3A = arith.constant 1 : i32
        %ge3A_101 = arith.cmpi sge, %add3A_87, %ge3A : i32
        %convert_element_type3A_102 = arith.extui %ge3A_101 : i1 to i32
        %cond3A_103 = arith.constant 0 : i32
        %cond3A_104 = arith.cmpi ne, %convert_element_type3A_102, %cond3A_103 : i32
        scf.if %cond3A_104 {
          %dma_wait3A_150 = arith.constant 0 : i32
          %dma_wait3A_151 = arith.constant 0 : i32
          %dma_wait3A_152 = tpu.memref_slice %arg7[%dma_wait3A_150, %dma_wait3A_151] : memref<40x125xi32, #tpu.memory_space<vmem>> -> memref<1x125xi32, #tpu.memory_space<vmem>>
          %dma_wait3A_153 = tpu.memref_squeeze %dma_wait3A_152 : memref<1x125xi32, #tpu.memory_space<vmem>> -> memref<125xi32, #tpu.memory_space<vmem>>
          %dma_wait3A_154 = arith.constant 0 : i32
          %dma_wait3A_155 = arith.constant 0 : i32
          %dma_wait3A_156 = tpu.memref_slice %arg14[%dma_wait3A_154, %dma_wait3A_155] : memref<10000x128xf32, #tpu.memory_space<vmem_shared>> -> memref<10000x128xf32, #tpu.memory_space<vmem_shared>>
          tpu.wait_indirect_dma semaphore(%arg13 : memref<!tpu.dma_semaphore, #tpu.memory_space<semaphore_mem>>) src(%arg9 : memref<125x128xf32, #tpu.memory_space<vmem>>) dst(%dma_wait3A_156 : memref<10000x128xf32, #tpu.memory_space<vmem_shared>>)
        } else {
        }
        %add3A_105 = arith.constant 1 : i32
        %add3A_106 = arith.addi %add3A_89, %add3A_105 : i32
        %lt3A = arith.constant 40 : i32
        %lt3A_107 = arith.cmpi slt, %add3A_106, %lt3A : i32
        %convert_element_type3A_108 = arith.extui %lt3A_107 : i1 to i32
        %cond3A_109 = arith.constant 0 : i32
        %cond3A_110 = arith.cmpi ne, %convert_element_type3A_108, %cond3A_109 : i32
        scf.if %cond3A_110 {
          %dma_start3A_150 = arith.constant 0 : i32
          %dma_start3A_151 = tpu.memref_slice %arg6[%add3A_106, %dma_start3A_150] : memref<40x125xi32, #tpu.memory_space<vmem>> -> memref<1x125xi32, #tpu.memory_space<vmem>>
          %dma_start3A_152 = tpu.memref_squeeze %dma_start3A_151 : memref<1x125xi32, #tpu.memory_space<vmem>> -> memref<125xi32, #tpu.memory_space<vmem>>
          %dma_start3A_153 = arith.constant 0 : i32
          %dma_start3A_154 = arith.constant 0 : i32
          %dma_start3A_155 = tpu.memref_slice %arg2[%scan3A, %dma_start3A_153, %dma_start3A_154] : memref<2x10000x128xf32, #tpu.memory_space<hbm>> -> memref<1x10000x128xf32, #tpu.memory_space<hbm>>
          %dma_start3A_156 = tpu.memref_squeeze %dma_start3A_155 : memref<1x10000x128xf32, #tpu.memory_space<hbm>> -> memref<10000x128xf32, #tpu.memory_space<hbm>>
          %dma_start3A_157 = arith.constant 0 : i32
          %dma_start3A_158 = arith.constant 0 : i32
          %dma_start3A_159 = tpu.memref_slice %dma_start3A_156[%dma_start3A_157, %dma_start3A_158] : memref<10000x128xf32, #tpu.memory_space<hbm>> -> memref<10000x128xf32, #tpu.memory_space<hbm>>
          tpu.enqueue_indirect_dma source(%dma_start3A_159 : memref<10000x128xf32, #tpu.memory_space<hbm>>) target(%arg9 : memref<125x128xf32, #tpu.memory_space<vmem>>) offsets(%dma_start3A_152 : memref<125xi32, #tpu.memory_space<vmem>>) semaphore(%arg11 : memref<!tpu.dma_semaphore, #tpu.memory_space<semaphore_mem>>)
        } else {
        }
        %dma_start3A_111 = arith.constant 0 : i32
        %dma_start3A_112 = tpu.memref_slice %arg7[%add3A_89, %dma_start3A_111] : memref<40x125xi32, #tpu.memory_space<vmem>> -> memref<1x125xi32, #tpu.memory_space<vmem>>
        %dma_start3A_113 = tpu.memref_squeeze %dma_start3A_112 : memref<1x125xi32, #tpu.memory_space<vmem>> -> memref<125xi32, #tpu.memory_space<vmem>>
        %dma_start3A_114 = arith.constant 0 : i32
        %dma_start3A_115 = arith.constant 0 : i32
        %dma_start3A_116 = tpu.memref_slice %arg14[%dma_start3A_114, %dma_start3A_115] : memref<10000x128xf32, #tpu.memory_space<vmem_shared>> -> memref<10000x128xf32, #tpu.memory_space<vmem_shared>>
        tpu.enqueue_indirect_dma source(%arg8 : memref<125x128xf32, #tpu.memory_space<vmem>>) target(%dma_start3A_116 : memref<10000x128xf32, #tpu.memory_space<vmem_shared>>) offsets(%dma_start3A_113 : memref<125xi32, #tpu.memory_space<vmem>>) semaphore(%arg12 : memref<!tpu.dma_semaphore, #tpu.memory_space<semaphore_mem>>) {add = true}
        %add3A_117 = arith.constant 1 : i32
        %add3A_118 = arith.addi %add3A_87, %add3A_117 : i32
        %dma_wait3A_119 = arith.constant 0 : i32
        %dma_wait3A_120 = arith.constant 0 : i32
        %dma_wait3A_121 = tpu.memref_slice %arg6[%dma_wait3A_119, %dma_wait3A_120] : memref<40x125xi32, #tpu.memory_space<vmem>> -> memref<1x125xi32, #tpu.memory_space<vmem>>
        %dma_wait3A_122 = tpu.memref_squeeze %dma_wait3A_121 : memref<1x125xi32, #tpu.memory_space<vmem>> -> memref<125xi32, #tpu.memory_space<vmem>>
        %dma_wait3A_123 = arith.constant 0 : i32
        %dma_wait3A_124 = arith.constant 0 : i32
        %dma_wait3A_125 = tpu.memref_slice %arg2[%scan3A, %dma_wait3A_123, %dma_wait3A_124] : memref<2x10000x128xf32, #tpu.memory_space<hbm>> -> memref<1x10000x128xf32, #tpu.memory_space<hbm>>
        %dma_wait3A_126 = tpu.memref_squeeze %dma_wait3A_125 : memref<1x10000x128xf32, #tpu.memory_space<hbm>> -> memref<10000x128xf32, #tpu.memory_space<hbm>>
        %dma_wait3A_127 = arith.constant 0 : i32
        %dma_wait3A_128 = arith.constant 0 : i32
        %dma_wait3A_129 = tpu.memref_slice %dma_wait3A_126[%dma_wait3A_127, %dma_wait3A_128] : memref<10000x128xf32, #tpu.memory_space<hbm>> -> memref<10000x128xf32, #tpu.memory_space<hbm>>
        tpu.wait_indirect_dma semaphore(%arg11 : memref<!tpu.dma_semaphore, #tpu.memory_space<semaphore_mem>>) src(%dma_wait3A_129 : memref<10000x128xf32, #tpu.memory_space<hbm>>) dst(%arg9 : memref<125x128xf32, #tpu.memory_space<vmem>>)
        %dma_wait3A_130 = arith.constant 0 : i32
        %dma_wait3A_131 = arith.constant 0 : i32
        %dma_wait3A_132 = tpu.memref_slice %arg7[%dma_wait3A_130, %dma_wait3A_131] : memref<40x125xi32, #tpu.memory_space<vmem>> -> memref<1x125xi32, #tpu.memory_space<vmem>>
        %dma_wait3A_133 = tpu.memref_squeeze %dma_wait3A_132 : memref<1x125xi32, #tpu.memory_space<vmem>> -> memref<125xi32, #tpu.memory_space<vmem>>
        %dma_wait3A_134 = arith.constant 0 : i32
        %dma_wait3A_135 = arith.constant 0 : i32
        %dma_wait3A_136 = tpu.memref_slice %arg14[%dma_wait3A_134, %dma_wait3A_135] : memref<10000x128xf32, #tpu.memory_space<vmem_shared>> -> memref<10000x128xf32, #tpu.memory_space<vmem_shared>>
        tpu.wait_indirect_dma semaphore(%arg12 : memref<!tpu.dma_semaphore, #tpu.memory_space<semaphore_mem>>) src(%arg8 : memref<125x128xf32, #tpu.memory_space<vmem>>) dst(%dma_wait3A_136 : memref<10000x128xf32, #tpu.memory_space<vmem_shared>>)
        %add3A_137 = arith.constant 1 : i32
        %add3A_138 = arith.addi %add3A_118, %add3A_137 : i32
        %lt3A_139 = arith.constant 40 : i32
        %lt3A_140 = arith.cmpi slt, %add3A_138, %lt3A_139 : i32
        %convert_element_type3A_141 = arith.extui %lt3A_140 : i1 to i32
        %cond3A_142 = arith.constant 0 : i32
        %cond3A_143 = arith.cmpi ne, %convert_element_type3A_141, %cond3A_142 : i32
        scf.if %cond3A_143 {
          %dma_start3A_150 = arith.constant 0 : i32
          %dma_start3A_151 = tpu.memref_slice %arg6[%add3A_138, %dma_start3A_150] : memref<40x125xi32, #tpu.memory_space<vmem>> -> memref<1x125xi32, #tpu.memory_space<vmem>>
          %dma_start3A_152 = tpu.memref_squeeze %dma_start3A_151 : memref<1x125xi32, #tpu.memory_space<vmem>> -> memref<125xi32, #tpu.memory_space<vmem>>
          %dma_start3A_153 = arith.constant 0 : i32
          %dma_start3A_154 = arith.constant 0 : i32
          %dma_start3A_155 = tpu.memref_slice %arg2[%scan3A, %dma_start3A_153, %dma_start3A_154] : memref<2x10000x128xf32, #tpu.memory_space<hbm>> -> memref<1x10000x128xf32, #tpu.memory_space<hbm>>
          %dma_start3A_156 = tpu.memref_squeeze %dma_start3A_155 : memref<1x10000x128xf32, #tpu.memory_space<hbm>> -> memref<10000x128xf32, #tpu.memory_space<hbm>>
          %dma_start3A_157 = arith.constant 0 : i32
          %dma_start3A_158 = arith.constant 0 : i32
          %dma_start3A_159 = tpu.memref_slice %dma_start3A_156[%dma_start3A_157, %dma_start3A_158] : memref<10000x128xf32, #tpu.memory_space<hbm>> -> memref<10000x128xf32, #tpu.memory_space<hbm>>
          tpu.enqueue_indirect_dma source(%dma_start3A_159 : memref<10000x128xf32, #tpu.memory_space<hbm>>) target(%arg8 : memref<125x128xf32, #tpu.memory_space<vmem>>) offsets(%dma_start3A_152 : memref<125xi32, #tpu.memory_space<vmem>>) semaphore(%arg10 : memref<!tpu.dma_semaphore, #tpu.memory_space<semaphore_mem>>)
        } else {
        }
        %dma_start3A_144 = arith.constant 0 : i32
        %dma_start3A_145 = tpu.memref_slice %arg7[%add3A_118, %dma_start3A_144] : memref<40x125xi32, #tpu.memory_space<vmem>> -> memref<1x125xi32, #tpu.memory_space<vmem>>
        %dma_start3A_146 = tpu.memref_squeeze %dma_start3A_145 : memref<1x125xi32, #tpu.memory_space<vmem>> -> memref<125xi32, #tpu.memory_space<vmem>>
        %dma_start3A_147 = arith.constant 0 : i32
        %dma_start3A_148 = arith.constant 0 : i32
        %dma_start3A_149 = tpu.memref_slice %arg14[%dma_start3A_147, %dma_start3A_148] : memref<10000x128xf32, #tpu.memory_space<vmem_shared>> -> memref<10000x128xf32, #tpu.memory_space<vmem_shared>>
        tpu.enqueue_indirect_dma source(%arg9 : memref<125x128xf32, #tpu.memory_space<vmem>>) target(%dma_start3A_149 : memref<10000x128xf32, #tpu.memory_space<vmem_shared>>) offsets(%dma_start3A_146 : memref<125xi32, #tpu.memory_space<vmem>>) semaphore(%arg13 : memref<!tpu.dma_semaphore, #tpu.memory_space<semaphore_mem>>) {add = true}
      }
      %scan3A_47 = arith.constant 20 : i32
      %dma_wait3A = arith.constant 0 : i32
      %dma_wait3A_48 = arith.constant 0 : i32
      %dma_wait3A_49 = tpu.memref_slice %arg7[%dma_wait3A, %dma_wait3A_48] : memref<40x125xi32, #tpu.memory_space<vmem>> -> memref<1x125xi32, #tpu.memory_space<vmem>>
      %dma_wait3A_50 = tpu.memref_squeeze %dma_wait3A_49 : memref<1x125xi32, #tpu.memory_space<vmem>> -> memref<125xi32, #tpu.memory_space<vmem>>
      %dma_wait3A_51 = arith.constant 0 : i32
      %dma_wait3A_52 = arith.constant 0 : i32
      %dma_wait3A_53 = tpu.memref_slice %arg14[%dma_wait3A_51, %dma_wait3A_52] : memref<10000x128xf32, #tpu.memory_space<vmem_shared>> -> memref<10000x128xf32, #tpu.memory_space<vmem_shared>>
      tpu.wait_indirect_dma semaphore(%arg13 : memref<!tpu.dma_semaphore, #tpu.memory_space<semaphore_mem>>) src(%arg9 : memref<125x128xf32, #tpu.memory_space<vmem>>) dst(%dma_wait3A_53 : memref<10000x128xf32, #tpu.memory_space<vmem_shared>>)
      %mul3A_54 = arith.constant 80 : i32
      %mul3A_55 = arith.muli %arg1, %mul3A_54 : i32
      %add3A_56 = arith.constant 40 : i32
      %add3A_57 = arith.addi %mul3A_55, %add3A_56 : i32
      "tpu.region"() ({
        %run_scoped3A = tpu.sem_alloc : memref<!tpu.dma_semaphore, #tpu.memory_space<semaphore_mem>>
        %dma_start3A_83 = arith.constant 0 : i32
        %dma_start3A_84 = tpu.memref_slice %arg3[%add3A_57, %dma_start3A_83] : memref<1280x125xi32, #tpu.memory_space<hbm>> -> memref<40x125xi32, #tpu.memory_space<hbm>>
        %dma_start3A_85 = arith.constant 0 : i32
        %dma_start3A_86 = tpu.memref_slice %arg3[%add3A_57, %dma_start3A_85] : memref<1280x125xi32, #tpu.memory_space<hbm>> -> memref<40x125xi32, #tpu.memory_space<hbm>>
        tpu.enqueue_dma source(%dma_start3A_86 : memref<40x125xi32, #tpu.memory_space<hbm>>) target(%arg6 : memref<40x125xi32, #tpu.memory_space<vmem>>) target_semaphore(%run_scoped3A : memref<!tpu.dma_semaphore, #tpu.memory_space<semaphore_mem>>)
        %dma_wait3A_87 = arith.constant 0 : i32
        %dma_wait3A_88 = tpu.memref_slice %arg3[%add3A_57, %dma_wait3A_87] : memref<1280x125xi32, #tpu.memory_space<hbm>> -> memref<40x125xi32, #tpu.memory_space<hbm>>
        %dma_wait3A_89 = arith.constant 0 : i32
        %dma_wait3A_90 = tpu.memref_slice %arg3[%add3A_57, %dma_wait3A_89] : memref<1280x125xi32, #tpu.memory_space<hbm>> -> memref<40x125xi32, #tpu.memory_space<hbm>>
        tpu.wait_dma2 semaphore(%run_scoped3A : memref<!tpu.dma_semaphore, #tpu.memory_space<semaphore_mem>>) src(%dma_wait3A_90 : memref<40x125xi32, #tpu.memory_space<hbm>>) dst(%arg6 : memref<40x125xi32, #tpu.memory_space<vmem>>)
        tpu.yield
      }) : () -> ()
      "tpu.region"() ({
        %run_scoped3A = tpu.sem_alloc : memref<!tpu.dma_semaphore, #tpu.memory_space<semaphore_mem>>
        %dma_start3A_83 = arith.constant 0 : i32
        %dma_start3A_84 = tpu.memref_slice %arg4[%add3A_57, %dma_start3A_83] : memref<1280x125xi32, #tpu.memory_space<hbm>> -> memref<40x125xi32, #tpu.memory_space<hbm>>
        %dma_start3A_85 = arith.constant 0 : i32
        %dma_start3A_86 = tpu.memref_slice %arg4[%add3A_57, %dma_start3A_85] : memref<1280x125xi32, #tpu.memory_space<hbm>> -> memref<40x125xi32, #tpu.memory_space<hbm>>
        tpu.enqueue_dma source(%dma_start3A_86 : memref<40x125xi32, #tpu.memory_space<hbm>>) target(%arg7 : memref<40x125xi32, #tpu.memory_space<vmem>>) target_semaphore(%run_scoped3A : memref<!tpu.dma_semaphore, #tpu.memory_space<semaphore_mem>>)
        %dma_wait3A_87 = arith.constant 0 : i32
        %dma_wait3A_88 = tpu.memref_slice %arg4[%add3A_57, %dma_wait3A_87] : memref<1280x125xi32, #tpu.memory_space<hbm>> -> memref<40x125xi32, #tpu.memory_space<hbm>>
        %dma_wait3A_89 = arith.constant 0 : i32
        %dma_wait3A_90 = tpu.memref_slice %arg4[%add3A_57, %dma_wait3A_89] : memref<1280x125xi32, #tpu.memory_space<hbm>> -> memref<40x125xi32, #tpu.memory_space<hbm>>
        tpu.wait_dma2 semaphore(%run_scoped3A : memref<!tpu.dma_semaphore, #tpu.memory_space<semaphore_mem>>) src(%dma_wait3A_90 : memref<40x125xi32, #tpu.memory_space<hbm>>) dst(%arg7 : memref<40x125xi32, #tpu.memory_space<vmem>>)
        tpu.yield
      }) : () -> ()
      %dma_start3A_58 = arith.constant 0 : i32
      %dma_start3A_59 = arith.constant 0 : i32
      %dma_start3A_60 = arith.constant 0 : i32
      %dma_start3A_61 = tpu.memref_slice %arg6[%dma_start3A_59, %dma_start3A_60] : memref<40x125xi32, #tpu.memory_space<vmem>> -> memref<1x125xi32, #tpu.memory_space<vmem>>
      %dma_start3A_62 = tpu.memref_squeeze %dma_start3A_61 : memref<1x125xi32, #tpu.memory_space<vmem>> -> memref<125xi32, #tpu.memory_space<vmem>>
      %dma_start3A_63 = arith.constant 0 : i32
      %dma_start3A_64 = arith.constant 0 : i32
      %dma_start3A_65 = tpu.memref_slice %arg2[%dma_start3A_58, %dma_start3A_63, %dma_start3A_64] : memref<2x10000x128xf32, #tpu.memory_space<hbm>> -> memref<1x10000x128xf32, #tpu.memory_space<hbm>>
      %dma_start3A_66 = tpu.memref_squeeze %dma_start3A_65 : memref<1x10000x128xf32, #tpu.memory_space<hbm>> -> memref<10000x128xf32, #tpu.memory_space<hbm>>
      %dma_start3A_67 = arith.constant 0 : i32
      %dma_start3A_68 = arith.constant 0 : i32
      %dma_start3A_69 = tpu.memref_slice %dma_start3A_66[%dma_start3A_67, %dma_start3A_68] : memref<10000x128xf32, #tpu.memory_space<hbm>> -> memref<10000x128xf32, #tpu.memory_space<hbm>>
      tpu.enqueue_indirect_dma source(%dma_start3A_69 : memref<10000x128xf32, #tpu.memory_space<hbm>>) target(%arg8 : memref<125x128xf32, #tpu.memory_space<vmem>>) offsets(%dma_start3A_62 : memref<125xi32, #tpu.memory_space<vmem>>) semaphore(%arg10 : memref<!tpu.dma_semaphore, #tpu.memory_space<semaphore_mem>>)
      %scan3A_70 = arith.constant 0 : i32
      %scan3A_71 = arith.constant 0 : i32
      %scan3A_72 = arith.constant 20 : i32
      %scan3A_73 = arith.addi %scan3A_71, %scan3A_72 : i32
      %scan3A_74 = arith.constant 1 : i32
      scf.for %scan3A_83 = %scan3A_71 to %scan3A_73 step %scan3A_74  : i32 {
        %mul3A_84 = arith.constant 2 : i32
        %mul3A_85 = arith.muli %scan3A_83, %mul3A_84 : i32
        %add3A_86 = arith.constant 0 : i32
        %add3A_87 = arith.addi %add3A_86, %mul3A_85 : i32
        %add3A_88 = arith.constant 0 : i32
        %add3A_89 = arith.addi %add3A_87, %add3A_88 : i32
        %dma_wait3A_90 = arith.constant 0 : i32
        %dma_wait3A_91 = arith.constant 0 : i32
        %dma_wait3A_92 = tpu.memref_slice %arg6[%dma_wait3A_90, %dma_wait3A_91] : memref<40x125xi32, #tpu.memory_space<vmem>> -> memref<1x125xi32, #tpu.memory_space<vmem>>
        %dma_wait3A_93 = tpu.memref_squeeze %dma_wait3A_92 : memref<1x125xi32, #tpu.memory_space<vmem>> -> memref<125xi32, #tpu.memory_space<vmem>>
        %dma_wait3A_94 = arith.constant 0 : i32
        %dma_wait3A_95 = arith.constant 0 : i32
        %dma_wait3A_96 = tpu.memref_slice %arg2[%scan3A_70, %dma_wait3A_94, %dma_wait3A_95] : memref<2x10000x128xf32, #tpu.memory_space<hbm>> -> memref<1x10000x128xf32, #tpu.memory_space<hbm>>
        %dma_wait3A_97 = tpu.memref_squeeze %dma_wait3A_96 : memref<1x10000x128xf32, #tpu.memory_space<hbm>> -> memref<10000x128xf32, #tpu.memory_space<hbm>>
        %dma_wait3A_98 = arith.constant 0 : i32
        %dma_wait3A_99 = arith.constant 0 : i32
        %dma_wait3A_100 = tpu.memref_slice %dma_wait3A_97[%dma_wait3A_98, %dma_wait3A_99] : memref<10000x128xf32, #tpu.memory_space<hbm>> -> memref<10000x128xf32, #tpu.memory_space<hbm>>
        tpu.wait_indirect_dma semaphore(%arg10 : memref<!tpu.dma_semaphore, #tpu.memory_space<semaphore_mem>>) src(%dma_wait3A_100 : memref<10000x128xf32, #tpu.memory_space<hbm>>) dst(%arg8 : memref<125x128xf32, #tpu.memory_space<vmem>>)
        %ge3A = arith.constant 1 : i32
        %ge3A_101 = arith.cmpi sge, %add3A_87, %ge3A : i32
        %convert_element_type3A_102 = arith.extui %ge3A_101 : i1 to i32
        %cond3A_103 = arith.constant 0 : i32
        %cond3A_104 = arith.cmpi ne, %convert_element_type3A_102, %cond3A_103 : i32
        scf.if %cond3A_104 {
          %dma_wait3A_150 = arith.constant 0 : i32
          %dma_wait3A_151 = arith.constant 0 : i32
          %dma_wait3A_152 = tpu.memref_slice %arg7[%dma_wait3A_150, %dma_wait3A_151] : memref<40x125xi32, #tpu.memory_space<vmem>> -> memref<1x125xi32, #tpu.memory_space<vmem>>
          %dma_wait3A_153 = tpu.memref_squeeze %dma_wait3A_152 : memref<1x125xi32, #tpu.memory_space<vmem>> -> memref<125xi32, #tpu.memory_space<vmem>>
          %dma_wait3A_154 = arith.constant 0 : i32
          %dma_wait3A_155 = arith.constant 0 : i32
          %dma_wait3A_156 = tpu.memref_slice %arg14[%dma_wait3A_154, %dma_wait3A_155] : memref<10000x128xf32, #tpu.memory_space<vmem_shared>> -> memref<10000x128xf32, #tpu.memory_space<vmem_shared>>
          tpu.wait_indirect_dma semaphore(%arg13 : memref<!tpu.dma_semaphore, #tpu.memory_space<semaphore_mem>>) src(%arg9 : memref<125x128xf32, #tpu.memory_space<vmem>>) dst(%dma_wait3A_156 : memref<10000x128xf32, #tpu.memory_space<vmem_shared>>)
        } else {
        }
        %add3A_105 = arith.constant 1 : i32
        %add3A_106 = arith.addi %add3A_89, %add3A_105 : i32
        %lt3A = arith.constant 40 : i32
        %lt3A_107 = arith.cmpi slt, %add3A_106, %lt3A : i32
        %convert_element_type3A_108 = arith.extui %lt3A_107 : i1 to i32
        %cond3A_109 = arith.constant 0 : i32
        %cond3A_110 = arith.cmpi ne, %convert_element_type3A_108, %cond3A_109 : i32
        scf.if %cond3A_110 {
          %dma_start3A_150 = arith.constant 0 : i32
          %dma_start3A_151 = tpu.memref_slice %arg6[%add3A_106, %dma_start3A_150] : memref<40x125xi32, #tpu.memory_space<vmem>> -> memref<1x125xi32, #tpu.memory_space<vmem>>
          %dma_start3A_152 = tpu.memref_squeeze %dma_start3A_151 : memref<1x125xi32, #tpu.memory_space<vmem>> -> memref<125xi32, #tpu.memory_space<vmem>>
          %dma_start3A_153 = arith.constant 0 : i32
          %dma_start3A_154 = arith.constant 0 : i32
          %dma_start3A_155 = tpu.memref_slice %arg2[%scan3A_70, %dma_start3A_153, %dma_start3A_154] : memref<2x10000x128xf32, #tpu.memory_space<hbm>> -> memref<1x10000x128xf32, #tpu.memory_space<hbm>>
          %dma_start3A_156 = tpu.memref_squeeze %dma_start3A_155 : memref<1x10000x128xf32, #tpu.memory_space<hbm>> -> memref<10000x128xf32, #tpu.memory_space<hbm>>
          %dma_start3A_157 = arith.constant 0 : i32
          %dma_start3A_158 = arith.constant 0 : i32
          %dma_start3A_159 = tpu.memref_slice %dma_start3A_156[%dma_start3A_157, %dma_start3A_158] : memref<10000x128xf32, #tpu.memory_space<hbm>> -> memref<10000x128xf32, #tpu.memory_space<hbm>>
          tpu.enqueue_indirect_dma source(%dma_start3A_159 : memref<10000x128xf32, #tpu.memory_space<hbm>>) target(%arg9 : memref<125x128xf32, #tpu.memory_space<vmem>>) offsets(%dma_start3A_152 : memref<125xi32, #tpu.memory_space<vmem>>) semaphore(%arg11 : memref<!tpu.dma_semaphore, #tpu.memory_space<semaphore_mem>>)
        } else {
        }
        %dma_start3A_111 = arith.constant 0 : i32
        %dma_start3A_112 = tpu.memref_slice %arg7[%add3A_89, %dma_start3A_111] : memref<40x125xi32, #tpu.memory_space<vmem>> -> memref<1x125xi32, #tpu.memory_space<vmem>>
        %dma_start3A_113 = tpu.memref_squeeze %dma_start3A_112 : memref<1x125xi32, #tpu.memory_space<vmem>> -> memref<125xi32, #tpu.memory_space<vmem>>
        %dma_start3A_114 = arith.constant 0 : i32
        %dma_start3A_115 = arith.constant 0 : i32
        %dma_start3A_116 = tpu.memref_slice %arg14[%dma_start3A_114, %dma_start3A_115] : memref<10000x128xf32, #tpu.memory_space<vmem_shared>> -> memref<10000x128xf32, #tpu.memory_space<vmem_shared>>
        tpu.enqueue_indirect_dma source(%arg8 : memref<125x128xf32, #tpu.memory_space<vmem>>) target(%dma_start3A_116 : memref<10000x128xf32, #tpu.memory_space<vmem_shared>>) offsets(%dma_start3A_113 : memref<125xi32, #tpu.memory_space<vmem>>) semaphore(%arg12 : memref<!tpu.dma_semaphore, #tpu.memory_space<semaphore_mem>>) {add = true}
        %add3A_117 = arith.constant 1 : i32
        %add3A_118 = arith.addi %add3A_87, %add3A_117 : i32
        %dma_wait3A_119 = arith.constant 0 : i32
        %dma_wait3A_120 = arith.constant 0 : i32
        %dma_wait3A_121 = tpu.memref_slice %arg6[%dma_wait3A_119, %dma_wait3A_120] : memref<40x125xi32, #tpu.memory_space<vmem>> -> memref<1x125xi32, #tpu.memory_space<vmem>>
        %dma_wait3A_122 = tpu.memref_squeeze %dma_wait3A_121 : memref<1x125xi32, #tpu.memory_space<vmem>> -> memref<125xi32, #tpu.memory_space<vmem>>
        %dma_wait3A_123 = arith.constant 0 : i32
        %dma_wait3A_124 = arith.constant 0 : i32
        %dma_wait3A_125 = tpu.memref_slice %arg2[%scan3A_70, %dma_wait3A_123, %dma_wait3A_124] : memref<2x10000x128xf32, #tpu.memory_space<hbm>> -> memref<1x10000x128xf32, #tpu.memory_space<hbm>>
        %dma_wait3A_126 = tpu.memref_squeeze %dma_wait3A_125 : memref<1x10000x128xf32, #tpu.memory_space<hbm>> -> memref<10000x128xf32, #tpu.memory_space<hbm>>
        %dma_wait3A_127 = arith.constant 0 : i32
        %dma_wait3A_128 = arith.constant 0 : i32
        %dma_wait3A_129 = tpu.memref_slice %dma_wait3A_126[%dma_wait3A_127, %dma_wait3A_128] : memref<10000x128xf32, #tpu.memory_space<hbm>> -> memref<10000x128xf32, #tpu.memory_space<hbm>>
        tpu.wait_indirect_dma semaphore(%arg11 : memref<!tpu.dma_semaphore, #tpu.memory_space<semaphore_mem>>) src(%dma_wait3A_129 : memref<10000x128xf32, #tpu.memory_space<hbm>>) dst(%arg9 : memref<125x128xf32, #tpu.memory_space<vmem>>)
        %dma_wait3A_130 = arith.constant 0 : i32
        %dma_wait3A_131 = arith.constant 0 : i32
        %dma_wait3A_132 = tpu.memref_slice %arg7[%dma_wait3A_130, %dma_wait3A_131] : memref<40x125xi32, #tpu.memory_space<vmem>> -> memref<1x125xi32, #tpu.memory_space<vmem>>
        %dma_wait3A_133 = tpu.memref_squeeze %dma_wait3A_132 : memref<1x125xi32, #tpu.memory_space<vmem>> -> memref<125xi32, #tpu.memory_space<vmem>>
        %dma_wait3A_134 = arith.constant 0 : i32
        %dma_wait3A_135 = arith.constant 0 : i32
        %dma_wait3A_136 = tpu.memref_slice %arg14[%dma_wait3A_134, %dma_wait3A_135] : memref<10000x128xf32, #tpu.memory_space<vmem_shared>> -> memref<10000x128xf32, #tpu.memory_space<vmem_shared>>
        tpu.wait_indirect_dma semaphore(%arg12 : memref<!tpu.dma_semaphore, #tpu.memory_space<semaphore_mem>>) src(%arg8 : memref<125x128xf32, #tpu.memory_space<vmem>>) dst(%dma_wait3A_136 : memref<10000x128xf32, #tpu.memory_space<vmem_shared>>)
        %add3A_137 = arith.constant 1 : i32
        %add3A_138 = arith.addi %add3A_118, %add3A_137 : i32
        %lt3A_139 = arith.constant 40 : i32
        %lt3A_140 = arith.cmpi slt, %add3A_138, %lt3A_139 : i32
        %convert_element_type3A_141 = arith.extui %lt3A_140 : i1 to i32
        %cond3A_142 = arith.constant 0 : i32
        %cond3A_143 = arith.cmpi ne, %convert_element_type3A_141, %cond3A_142 : i32
        scf.if %cond3A_143 {
          %dma_start3A_150 = arith.constant 0 : i32
          %dma_start3A_151 = tpu.memref_slice %arg6[%add3A_138, %dma_start3A_150] : memref<40x125xi32, #tpu.memory_space<vmem>> -> memref<1x125xi32, #tpu.memory_space<vmem>>
          %dma_start3A_152 = tpu.memref_squeeze %dma_start3A_151 : memref<1x125xi32, #tpu.memory_space<vmem>> -> memref<125xi32, #tpu.memory_space<vmem>>
          %dma_start3A_153 = arith.constant 0 : i32
          %dma_start3A_154 = arith.constant 0 : i32
          %dma_start3A_155 = tpu.memref_slice %arg2[%scan3A_70, %dma_start3A_153, %dma_start3A_154] : memref<2x10000x128xf32, #tpu.memory_space<hbm>> -> memref<1x10000x128xf32, #tpu.memory_space<hbm>>
          %dma_start3A_156 = tpu.memref_squeeze %dma_start3A_155 : memref<1x10000x128xf32, #tpu.memory_space<hbm>> -> memref<10000x128xf32, #tpu.memory_space<hbm>>
          %dma_start3A_157 = arith.constant 0 : i32
          %dma_start3A_158 = arith.constant 0 : i32
          %dma_start3A_159 = tpu.memref_slice %dma_start3A_156[%dma_start3A_157, %dma_start3A_158] : memref<10000x128xf32, #tpu.memory_space<hbm>> -> memref<10000x128xf32, #tpu.memory_space<hbm>>
          tpu.enqueue_indirect_dma source(%dma_start3A_159 : memref<10000x128xf32, #tpu.memory_space<hbm>>) target(%arg8 : memref<125x128xf32, #tpu.memory_space<vmem>>) offsets(%dma_start3A_152 : memref<125xi32, #tpu.memory_space<vmem>>) semaphore(%arg10 : memref<!tpu.dma_semaphore, #tpu.memory_space<semaphore_mem>>)
        } else {
        }
        %dma_start3A_144 = arith.constant 0 : i32
        %dma_start3A_145 = tpu.memref_slice %arg7[%add3A_118, %dma_start3A_144] : memref<40x125xi32, #tpu.memory_space<vmem>> -> memref<1x125xi32, #tpu.memory_space<vmem>>
        %dma_start3A_146 = tpu.memref_squeeze %dma_start3A_145 : memref<1x125xi32, #tpu.memory_space<vmem>> -> memref<125xi32, #tpu.memory_space<vmem>>
        %dma_start3A_147 = arith.constant 0 : i32
        %dma_start3A_148 = arith.constant 0 : i32
        %dma_start3A_149 = tpu.memref_slice %arg14[%dma_start3A_147, %dma_start3A_148] : memref<10000x128xf32, #tpu.memory_space<vmem_shared>> -> memref<10000x128xf32, #tpu.memory_space<vmem_shared>>
        tpu.enqueue_indirect_dma source(%arg9 : memref<125x128xf32, #tpu.memory_space<vmem>>) target(%dma_start3A_149 : memref<10000x128xf32, #tpu.memory_space<vmem_shared>>) offsets(%dma_start3A_146 : memref<125xi32, #tpu.memory_space<vmem>>) semaphore(%arg13 : memref<!tpu.dma_semaphore, #tpu.memory_space<semaphore_mem>>) {add = true}
      }
      %scan3A_75 = arith.constant 20 : i32
      %dma_wait3A_76 = arith.constant 0 : i32
      %dma_wait3A_77 = arith.constant 0 : i32
      %dma_wait3A_78 = tpu.memref_slice %arg7[%dma_wait3A_76, %dma_wait3A_77] : memref<40x125xi32, #tpu.memory_space<vmem>> -> memref<1x125xi32, #tpu.memory_space<vmem>>
      %dma_wait3A_79 = tpu.memref_squeeze %dma_wait3A_78 : memref<1x125xi32, #tpu.memory_space<vmem>> -> memref<125xi32, #tpu.memory_space<vmem>>
      %dma_wait3A_80 = arith.constant 0 : i32
      %dma_wait3A_81 = arith.constant 0 : i32
      %dma_wait3A_82 = tpu.memref_slice %arg14[%dma_wait3A_80, %dma_wait3A_81] : memref<10000x128xf32, #tpu.memory_space<vmem_shared>> -> memref<10000x128xf32, #tpu.memory_space<vmem_shared>>
      tpu.wait_indirect_dma semaphore(%arg13 : memref<!tpu.dma_semaphore, #tpu.memory_space<semaphore_mem>>) src(%arg9 : memref<125x128xf32, #tpu.memory_space<vmem>>) dst(%dma_wait3A_82 : memref<10000x128xf32, #tpu.memory_space<vmem_shared>>)
    } else {
    }
    %eq3A_13 = arith.constant 1 : i32
    %eq3A_14 = arith.cmpi eq, %arg0, %eq3A_13 : i32
    %convert_element_type3A_15 = arith.extui %eq3A_14 : i1 to i32
    %cond3A_16 = arith.constant 0 : i32
    %cond3A_17 = arith.cmpi ne, %convert_element_type3A_15, %cond3A_16 : i32
    scf.if %cond3A_17 {
      %mul3A_29 = arith.constant 80 : i32
      %mul3A_30 = arith.muli %arg1, %mul3A_29 : i32
      %add3A = arith.constant 0 : i32
      %add3A_31 = arith.addi %mul3A_30, %add3A : i32
      "tpu.region"() ({
        %run_scoped3A = tpu.sem_alloc : memref<!tpu.dma_semaphore, #tpu.memory_space<semaphore_mem>>
        %dma_start3A_83 = arith.constant 0 : i32
        %dma_start3A_84 = tpu.memref_slice %arg3[%add3A_31, %dma_start3A_83] : memref<1280x125xi32, #tpu.memory_space<hbm>> -> memref<40x125xi32, #tpu.memory_space<hbm>>
        %dma_start3A_85 = arith.constant 0 : i32
        %dma_start3A_86 = tpu.memref_slice %arg3[%add3A_31, %dma_start3A_85] : memref<1280x125xi32, #tpu.memory_space<hbm>> -> memref<40x125xi32, #tpu.memory_space<hbm>>
        tpu.enqueue_dma source(%dma_start3A_86 : memref<40x125xi32, #tpu.memory_space<hbm>>) target(%arg6 : memref<40x125xi32, #tpu.memory_space<vmem>>) target_semaphore(%run_scoped3A : memref<!tpu.dma_semaphore, #tpu.memory_space<semaphore_mem>>)
        %dma_wait3A_87 = arith.constant 0 : i32
        %dma_wait3A_88 = tpu.memref_slice %arg3[%add3A_31, %dma_wait3A_87] : memref<1280x125xi32, #tpu.memory_space<hbm>> -> memref<40x125xi32, #tpu.memory_space<hbm>>
        %dma_wait3A_89 = arith.constant 0 : i32
        %dma_wait3A_90 = tpu.memref_slice %arg3[%add3A_31, %dma_wait3A_89] : memref<1280x125xi32, #tpu.memory_space<hbm>> -> memref<40x125xi32, #tpu.memory_space<hbm>>
        tpu.wait_dma2 semaphore(%run_scoped3A : memref<!tpu.dma_semaphore, #tpu.memory_space<semaphore_mem>>) src(%dma_wait3A_90 : memref<40x125xi32, #tpu.memory_space<hbm>>) dst(%arg6 : memref<40x125xi32, #tpu.memory_space<vmem>>)
        tpu.yield
      }) : () -> ()
      "tpu.region"() ({
        %run_scoped3A = tpu.sem_alloc : memref<!tpu.dma_semaphore, #tpu.memory_space<semaphore_mem>>
        %dma_start3A_83 = arith.constant 0 : i32
        %dma_start3A_84 = tpu.memref_slice %arg4[%add3A_31, %dma_start3A_83] : memref<1280x125xi32, #tpu.memory_space<hbm>> -> memref<40x125xi32, #tpu.memory_space<hbm>>
        %dma_start3A_85 = arith.constant 0 : i32
        %dma_start3A_86 = tpu.memref_slice %arg4[%add3A_31, %dma_start3A_85] : memref<1280x125xi32, #tpu.memory_space<hbm>> -> memref<40x125xi32, #tpu.memory_space<hbm>>
        tpu.enqueue_dma source(%dma_start3A_86 : memref<40x125xi32, #tpu.memory_space<hbm>>) target(%arg7 : memref<40x125xi32, #tpu.memory_space<vmem>>) target_semaphore(%run_scoped3A : memref<!tpu.dma_semaphore, #tpu.memory_space<semaphore_mem>>)
        %dma_wait3A_87 = arith.constant 0 : i32
        %dma_wait3A_88 = tpu.memref_slice %arg4[%add3A_31, %dma_wait3A_87] : memref<1280x125xi32, #tpu.memory_space<hbm>> -> memref<40x125xi32, #tpu.memory_space<hbm>>
        %dma_wait3A_89 = arith.constant 0 : i32
        %dma_wait3A_90 = tpu.memref_slice %arg4[%add3A_31, %dma_wait3A_89] : memref<1280x125xi32, #tpu.memory_space<hbm>> -> memref<40x125xi32, #tpu.memory_space<hbm>>
        tpu.wait_dma2 semaphore(%run_scoped3A : memref<!tpu.dma_semaphore, #tpu.memory_space<semaphore_mem>>) src(%dma_wait3A_90 : memref<40x125xi32, #tpu.memory_space<hbm>>) dst(%arg7 : memref<40x125xi32, #tpu.memory_space<vmem>>)
        tpu.yield
      }) : () -> ()
      %dma_start3A = arith.constant 1 : i32
      %dma_start3A_32 = arith.constant 0 : i32
      %dma_start3A_33 = arith.constant 0 : i32
      %dma_start3A_34 = tpu.memref_slice %arg6[%dma_start3A_32, %dma_start3A_33] : memref<40x125xi32, #tpu.memory_space<vmem>> -> memref<1x125xi32, #tpu.memory_space<vmem>>
      %dma_start3A_35 = tpu.memref_squeeze %dma_start3A_34 : memref<1x125xi32, #tpu.memory_space<vmem>> -> memref<125xi32, #tpu.memory_space<vmem>>
      %dma_start3A_36 = arith.constant 0 : i32
      %dma_start3A_37 = arith.constant 0 : i32
      %dma_start3A_38 = tpu.memref_slice %arg2[%dma_start3A, %dma_start3A_36, %dma_start3A_37] : memref<2x10000x128xf32, #tpu.memory_space<hbm>> -> memref<1x10000x128xf32, #tpu.memory_space<hbm>>
      %dma_start3A_39 = tpu.memref_squeeze %dma_start3A_38 : memref<1x10000x128xf32, #tpu.memory_space<hbm>> -> memref<10000x128xf32, #tpu.memory_space<hbm>>
      %dma_start3A_40 = arith.constant 0 : i32
      %dma_start3A_41 = arith.constant 0 : i32
      %dma_start3A_42 = tpu.memref_slice %dma_start3A_39[%dma_start3A_40, %dma_start3A_41] : memref<10000x128xf32, #tpu.memory_space<hbm>> -> memref<10000x128xf32, #tpu.memory_space<hbm>>
      tpu.enqueue_indirect_dma source(%dma_start3A_42 : memref<10000x128xf32, #tpu.memory_space<hbm>>) target(%arg8 : memref<125x128xf32, #tpu.memory_space<vmem>>) offsets(%dma_start3A_35 : memref<125xi32, #tpu.memory_space<vmem>>) semaphore(%arg10 : memref<!tpu.dma_semaphore, #tpu.memory_space<semaphore_mem>>)
      %scan3A = arith.constant 1 : i32
      %scan3A_43 = arith.constant 0 : i32
      %scan3A_44 = arith.constant 20 : i32
      %scan3A_45 = arith.addi %scan3A_43, %scan3A_44 : i32
      %scan3A_46 = arith.constant 1 : i32
      scf.for %scan3A_83 = %scan3A_43 to %scan3A_45 step %scan3A_46  : i32 {
        %mul3A_84 = arith.constant 2 : i32
        %mul3A_85 = arith.muli %scan3A_83, %mul3A_84 : i32
        %add3A_86 = arith.constant 0 : i32
        %add3A_87 = arith.addi %add3A_86, %mul3A_85 : i32
        %add3A_88 = arith.constant 0 : i32
        %add3A_89 = arith.addi %add3A_87, %add3A_88 : i32
        %dma_wait3A_90 = arith.constant 0 : i32
        %dma_wait3A_91 = arith.constant 0 : i32
        %dma_wait3A_92 = tpu.memref_slice %arg6[%dma_wait3A_90, %dma_wait3A_91] : memref<40x125xi32, #tpu.memory_space<vmem>> -> memref<1x125xi32, #tpu.memory_space<vmem>>
        %dma_wait3A_93 = tpu.memref_squeeze %dma_wait3A_92 : memref<1x125xi32, #tpu.memory_space<vmem>> -> memref<125xi32, #tpu.memory_space<vmem>>
        %dma_wait3A_94 = arith.constant 0 : i32
        %dma_wait3A_95 = arith.constant 0 : i32
        %dma_wait3A_96 = tpu.memref_slice %arg2[%scan3A, %dma_wait3A_94, %dma_wait3A_95] : memref<2x10000x128xf32, #tpu.memory_space<hbm>> -> memref<1x10000x128xf32, #tpu.memory_space<hbm>>
        %dma_wait3A_97 = tpu.memref_squeeze %dma_wait3A_96 : memref<1x10000x128xf32, #tpu.memory_space<hbm>> -> memref<10000x128xf32, #tpu.memory_space<hbm>>
        %dma_wait3A_98 = arith.constant 0 : i32
        %dma_wait3A_99 = arith.constant 0 : i32
        %dma_wait3A_100 = tpu.memref_slice %dma_wait3A_97[%dma_wait3A_98, %dma_wait3A_99] : memref<10000x128xf32, #tpu.memory_space<hbm>> -> memref<10000x128xf32, #tpu.memory_space<hbm>>
        tpu.wait_indirect_dma semaphore(%arg10 : memref<!tpu.dma_semaphore, #tpu.memory_space<semaphore_mem>>) src(%dma_wait3A_100 : memref<10000x128xf32, #tpu.memory_space<hbm>>) dst(%arg8 : memref<125x128xf32, #tpu.memory_space<vmem>>)
        %ge3A = arith.constant 1 : i32
        %ge3A_101 = arith.cmpi sge, %add3A_87, %ge3A : i32
        %convert_element_type3A_102 = arith.extui %ge3A_101 : i1 to i32
        %cond3A_103 = arith.constant 0 : i32
        %cond3A_104 = arith.cmpi ne, %convert_element_type3A_102, %cond3A_103 : i32
        scf.if %cond3A_104 {
          %dma_wait3A_150 = arith.constant 0 : i32
          %dma_wait3A_151 = arith.constant 0 : i32
          %dma_wait3A_152 = tpu.memref_slice %arg7[%dma_wait3A_150, %dma_wait3A_151] : memref<40x125xi32, #tpu.memory_space<vmem>> -> memref<1x125xi32, #tpu.memory_space<vmem>>
          %dma_wait3A_153 = tpu.memref_squeeze %dma_wait3A_152 : memref<1x125xi32, #tpu.memory_space<vmem>> -> memref<125xi32, #tpu.memory_space<vmem>>
          %dma_wait3A_154 = arith.constant 0 : i32
          %dma_wait3A_155 = arith.constant 0 : i32
          %dma_wait3A_156 = tpu.memref_slice %arg14[%dma_wait3A_154, %dma_wait3A_155] : memref<10000x128xf32, #tpu.memory_space<vmem_shared>> -> memref<10000x128xf32, #tpu.memory_space<vmem_shared>>
          tpu.wait_indirect_dma semaphore(%arg13 : memref<!tpu.dma_semaphore, #tpu.memory_space<semaphore_mem>>) src(%arg9 : memref<125x128xf32, #tpu.memory_space<vmem>>) dst(%dma_wait3A_156 : memref<10000x128xf32, #tpu.memory_space<vmem_shared>>)
        } else {
        }
        %add3A_105 = arith.constant 1 : i32
        %add3A_106 = arith.addi %add3A_89, %add3A_105 : i32
        %lt3A = arith.constant 40 : i32
        %lt3A_107 = arith.cmpi slt, %add3A_106, %lt3A : i32
        %convert_element_type3A_108 = arith.extui %lt3A_107 : i1 to i32
        %cond3A_109 = arith.constant 0 : i32
        %cond3A_110 = arith.cmpi ne, %convert_element_type3A_108, %cond3A_109 : i32
        scf.if %cond3A_110 {
          %dma_start3A_150 = arith.constant 0 : i32
          %dma_start3A_151 = tpu.memref_slice %arg6[%add3A_106, %dma_start3A_150] : memref<40x125xi32, #tpu.memory_space<vmem>> -> memref<1x125xi32, #tpu.memory_space<vmem>>
          %dma_start3A_152 = tpu.memref_squeeze %dma_start3A_151 : memref<1x125xi32, #tpu.memory_space<vmem>> -> memref<125xi32, #tpu.memory_space<vmem>>
          %dma_start3A_153 = arith.constant 0 : i32
          %dma_start3A_154 = arith.constant 0 : i32
          %dma_start3A_155 = tpu.memref_slice %arg2[%scan3A, %dma_start3A_153, %dma_start3A_154] : memref<2x10000x128xf32, #tpu.memory_space<hbm>> -> memref<1x10000x128xf32, #tpu.memory_space<hbm>>
          %dma_start3A_156 = tpu.memref_squeeze %dma_start3A_155 : memref<1x10000x128xf32, #tpu.memory_space<hbm>> -> memref<10000x128xf32, #tpu.memory_space<hbm>>
          %dma_start3A_157 = arith.constant 0 : i32
          %dma_start3A_158 = arith.constant 0 : i32
          %dma_start3A_159 = tpu.memref_slice %dma_start3A_156[%dma_start3A_157, %dma_start3A_158] : memref<10000x128xf32, #tpu.memory_space<hbm>> -> memref<10000x128xf32, #tpu.memory_space<hbm>>
          tpu.enqueue_indirect_dma source(%dma_start3A_159 : memref<10000x128xf32, #tpu.memory_space<hbm>>) target(%arg9 : memref<125x128xf32, #tpu.memory_space<vmem>>) offsets(%dma_start3A_152 : memref<125xi32, #tpu.memory_space<vmem>>) semaphore(%arg11 : memref<!tpu.dma_semaphore, #tpu.memory_space<semaphore_mem>>)
        } else {
        }
        %dma_start3A_111 = arith.constant 0 : i32
        %dma_start3A_112 = tpu.memref_slice %arg7[%add3A_89, %dma_start3A_111] : memref<40x125xi32, #tpu.memory_space<vmem>> -> memref<1x125xi32, #tpu.memory_space<vmem>>
        %dma_start3A_113 = tpu.memref_squeeze %dma_start3A_112 : memref<1x125xi32, #tpu.memory_space<vmem>> -> memref<125xi32, #tpu.memory_space<vmem>>
        %dma_start3A_114 = arith.constant 0 : i32
        %dma_start3A_115 = arith.constant 0 : i32
        %dma_start3A_116 = tpu.memref_slice %arg14[%dma_start3A_114, %dma_start3A_115] : memref<10000x128xf32, #tpu.memory_space<vmem_shared>> -> memref<10000x128xf32, #tpu.memory_space<vmem_shared>>
        tpu.enqueue_indirect_dma source(%arg8 : memref<125x128xf32, #tpu.memory_space<vmem>>) target(%dma_start3A_116 : memref<10000x128xf32, #tpu.memory_space<vmem_shared>>) offsets(%dma_start3A_113 : memref<125xi32, #tpu.memory_space<vmem>>) semaphore(%arg12 : memref<!tpu.dma_semaphore, #tpu.memory_space<semaphore_mem>>) {add = true}
        %add3A_117 = arith.constant 1 : i32
        %add3A_118 = arith.addi %add3A_87, %add3A_117 : i32
        %dma_wait3A_119 = arith.constant 0 : i32
        %dma_wait3A_120 = arith.constant 0 : i32
        %dma_wait3A_121 = tpu.memref_slice %arg6[%dma_wait3A_119, %dma_wait3A_120] : memref<40x125xi32, #tpu.memory_space<vmem>> -> memref<1x125xi32, #tpu.memory_space<vmem>>
        %dma_wait3A_122 = tpu.memref_squeeze %dma_wait3A_121 : memref<1x125xi32, #tpu.memory_space<vmem>> -> memref<125xi32, #tpu.memory_space<vmem>>
        %dma_wait3A_123 = arith.constant 0 : i32
        %dma_wait3A_124 = arith.constant 0 : i32
        %dma_wait3A_125 = tpu.memref_slice %arg2[%scan3A, %dma_wait3A_123, %dma_wait3A_124] : memref<2x10000x128xf32, #tpu.memory_space<hbm>> -> memref<1x10000x128xf32, #tpu.memory_space<hbm>>
        %dma_wait3A_126 = tpu.memref_squeeze %dma_wait3A_125 : memref<1x10000x128xf32, #tpu.memory_space<hbm>> -> memref<10000x128xf32, #tpu.memory_space<hbm>>
        %dma_wait3A_127 = arith.constant 0 : i32
        %dma_wait3A_128 = arith.constant 0 : i32
        %dma_wait3A_129 = tpu.memref_slice %dma_wait3A_126[%dma_wait3A_127, %dma_wait3A_128] : memref<10000x128xf32, #tpu.memory_space<hbm>> -> memref<10000x128xf32, #tpu.memory_space<hbm>>
        tpu.wait_indirect_dma semaphore(%arg11 : memref<!tpu.dma_semaphore, #tpu.memory_space<semaphore_mem>>) src(%dma_wait3A_129 : memref<10000x128xf32, #tpu.memory_space<hbm>>) dst(%arg9 : memref<125x128xf32, #tpu.memory_space<vmem>>)
        %dma_wait3A_130 = arith.constant 0 : i32
        %dma_wait3A_131 = arith.constant 0 : i32
        %dma_wait3A_132 = tpu.memref_slice %arg7[%dma_wait3A_130, %dma_wait3A_131] : memref<40x125xi32, #tpu.memory_space<vmem>> -> memref<1x125xi32, #tpu.memory_space<vmem>>
        %dma_wait3A_133 = tpu.memref_squeeze %dma_wait3A_132 : memref<1x125xi32, #tpu.memory_space<vmem>> -> memref<125xi32, #tpu.memory_space<vmem>>
        %dma_wait3A_134 = arith.constant 0 : i32
        %dma_wait3A_135 = arith.constant 0 : i32
        %dma_wait3A_136 = tpu.memref_slice %arg14[%dma_wait3A_134, %dma_wait3A_135] : memref<10000x128xf32, #tpu.memory_space<vmem_shared>> -> memref<10000x128xf32, #tpu.memory_space<vmem_shared>>
        tpu.wait_indirect_dma semaphore(%arg12 : memref<!tpu.dma_semaphore, #tpu.memory_space<semaphore_mem>>) src(%arg8 : memref<125x128xf32, #tpu.memory_space<vmem>>) dst(%dma_wait3A_136 : memref<10000x128xf32, #tpu.memory_space<vmem_shared>>)
        %add3A_137 = arith.constant 1 : i32
        %add3A_138 = arith.addi %add3A_118, %add3A_137 : i32
        %lt3A_139 = arith.constant 40 : i32
        %lt3A_140 = arith.cmpi slt, %add3A_138, %lt3A_139 : i32
        %convert_element_type3A_141 = arith.extui %lt3A_140 : i1 to i32
        %cond3A_142 = arith.constant 0 : i32
        %cond3A_143 = arith.cmpi ne, %convert_element_type3A_141, %cond3A_142 : i32
        scf.if %cond3A_143 {
          %dma_start3A_150 = arith.constant 0 : i32
          %dma_start3A_151 = tpu.memref_slice %arg6[%add3A_138, %dma_start3A_150] : memref<40x125xi32, #tpu.memory_space<vmem>> -> memref<1x125xi32, #tpu.memory_space<vmem>>
          %dma_start3A_152 = tpu.memref_squeeze %dma_start3A_151 : memref<1x125xi32, #tpu.memory_space<vmem>> -> memref<125xi32, #tpu.memory_space<vmem>>
          %dma_start3A_153 = arith.constant 0 : i32
          %dma_start3A_154 = arith.constant 0 : i32
          %dma_start3A_155 = tpu.memref_slice %arg2[%scan3A, %dma_start3A_153, %dma_start3A_154] : memref<2x10000x128xf32, #tpu.memory_space<hbm>> -> memref<1x10000x128xf32, #tpu.memory_space<hbm>>
          %dma_start3A_156 = tpu.memref_squeeze %dma_start3A_155 : memref<1x10000x128xf32, #tpu.memory_space<hbm>> -> memref<10000x128xf32, #tpu.memory_space<hbm>>
          %dma_start3A_157 = arith.constant 0 : i32
          %dma_start3A_158 = arith.constant 0 : i32
          %dma_start3A_159 = tpu.memref_slice %dma_start3A_156[%dma_start3A_157, %dma_start3A_158] : memref<10000x128xf32, #tpu.memory_space<hbm>> -> memref<10000x128xf32, #tpu.memory_space<hbm>>
          tpu.enqueue_indirect_dma source(%dma_start3A_159 : memref<10000x128xf32, #tpu.memory_space<hbm>>) target(%arg8 : memref<125x128xf32, #tpu.memory_space<vmem>>) offsets(%dma_start3A_152 : memref<125xi32, #tpu.memory_space<vmem>>) semaphore(%arg10 : memref<!tpu.dma_semaphore, #tpu.memory_space<semaphore_mem>>)
        } else {
        }
        %dma_start3A_144 = arith.constant 0 : i32
        %dma_start3A_145 = tpu.memref_slice %arg7[%add3A_118, %dma_start3A_144] : memref<40x125xi32, #tpu.memory_space<vmem>> -> memref<1x125xi32, #tpu.memory_space<vmem>>
        %dma_start3A_146 = tpu.memref_squeeze %dma_start3A_145 : memref<1x125xi32, #tpu.memory_space<vmem>> -> memref<125xi32, #tpu.memory_space<vmem>>
        %dma_start3A_147 = arith.constant 0 : i32
        %dma_start3A_148 = arith.constant 0 : i32
        %dma_start3A_149 = tpu.memref_slice %arg14[%dma_start3A_147, %dma_start3A_148] : memref<10000x128xf32, #tpu.memory_space<vmem_shared>> -> memref<10000x128xf32, #tpu.memory_space<vmem_shared>>
        tpu.enqueue_indirect_dma source(%arg9 : memref<125x128xf32, #tpu.memory_space<vmem>>) target(%dma_start3A_149 : memref<10000x128xf32, #tpu.memory_space<vmem_shared>>) offsets(%dma_start3A_146 : memref<125xi32, #tpu.memory_space<vmem>>) semaphore(%arg13 : memref<!tpu.dma_semaphore, #tpu.memory_space<semaphore_mem>>) {add = true}
      }
      %scan3A_47 = arith.constant 20 : i32
      %dma_wait3A = arith.constant 0 : i32
      %dma_wait3A_48 = arith.constant 0 : i32
      %dma_wait3A_49 = tpu.memref_slice %arg7[%dma_wait3A, %dma_wait3A_48] : memref<40x125xi32, #tpu.memory_space<vmem>> -> memref<1x125xi32, #tpu.memory_space<vmem>>
      %dma_wait3A_50 = tpu.memref_squeeze %dma_wait3A_49 : memref<1x125xi32, #tpu.memory_space<vmem>> -> memref<125xi32, #tpu.memory_space<vmem>>
      %dma_wait3A_51 = arith.constant 0 : i32
      %dma_wait3A_52 = arith.constant 0 : i32
      %dma_wait3A_53 = tpu.memref_slice %arg14[%dma_wait3A_51, %dma_wait3A_52] : memref<10000x128xf32, #tpu.memory_space<vmem_shared>> -> memref<10000x128xf32, #tpu.memory_space<vmem_shared>>
      tpu.wait_indirect_dma semaphore(%arg13 : memref<!tpu.dma_semaphore, #tpu.memory_space<semaphore_mem>>) src(%arg9 : memref<125x128xf32, #tpu.memory_space<vmem>>) dst(%dma_wait3A_53 : memref<10000x128xf32, #tpu.memory_space<vmem_shared>>)
      %mul3A_54 = arith.constant 80 : i32
      %mul3A_55 = arith.muli %arg1, %mul3A_54 : i32
      %add3A_56 = arith.constant 40 : i32
      %add3A_57 = arith.addi %mul3A_55, %add3A_56 : i32
      "tpu.region"() ({
        %run_scoped3A = tpu.sem_alloc : memref<!tpu.dma_semaphore, #tpu.memory_space<semaphore_mem>>
        %dma_start3A_83 = arith.constant 0 : i32
        %dma_start3A_84 = tpu.memref_slice %arg3[%add3A_57, %dma_start3A_83] : memref<1280x125xi32, #tpu.memory_space<hbm>> -> memref<40x125xi32, #tpu.memory_space<hbm>>
        %dma_start3A_85 = arith.constant 0 : i32
        %dma_start3A_86 = tpu.memref_slice %arg3[%add3A_57, %dma_start3A_85] : memref<1280x125xi32, #tpu.memory_space<hbm>> -> memref<40x125xi32, #tpu.memory_space<hbm>>
        tpu.enqueue_dma source(%dma_start3A_86 : memref<40x125xi32, #tpu.memory_space<hbm>>) target(%arg6 : memref<40x125xi32, #tpu.memory_space<vmem>>) target_semaphore(%run_scoped3A : memref<!tpu.dma_semaphore, #tpu.memory_space<semaphore_mem>>)
        %dma_wait3A_87 = arith.constant 0 : i32
        %dma_wait3A_88 = tpu.memref_slice %arg3[%add3A_57, %dma_wait3A_87] : memref<1280x125xi32, #tpu.memory_space<hbm>> -> memref<40x125xi32, #tpu.memory_space<hbm>>
        %dma_wait3A_89 = arith.constant 0 : i32
        %dma_wait3A_90 = tpu.memref_slice %arg3[%add3A_57, %dma_wait3A_89] : memref<1280x125xi32, #tpu.memory_space<hbm>> -> memref<40x125xi32, #tpu.memory_space<hbm>>
        tpu.wait_dma2 semaphore(%run_scoped3A : memref<!tpu.dma_semaphore, #tpu.memory_space<semaphore_mem>>) src(%dma_wait3A_90 : memref<40x125xi32, #tpu.memory_space<hbm>>) dst(%arg6 : memref<40x125xi32, #tpu.memory_space<vmem>>)
        tpu.yield
      }) : () -> ()
      "tpu.region"() ({
        %run_scoped3A = tpu.sem_alloc : memref<!tpu.dma_semaphore, #tpu.memory_space<semaphore_mem>>
        %dma_start3A_83 = arith.constant 0 : i32
        %dma_start3A_84 = tpu.memref_slice %arg4[%add3A_57, %dma_start3A_83] : memref<1280x125xi32, #tpu.memory_space<hbm>> -> memref<40x125xi32, #tpu.memory_space<hbm>>
        %dma_start3A_85 = arith.constant 0 : i32
        %dma_start3A_86 = tpu.memref_slice %arg4[%add3A_57, %dma_start3A_85] : memref<1280x125xi32, #tpu.memory_space<hbm>> -> memref<40x125xi32, #tpu.memory_space<hbm>>
        tpu.enqueue_dma source(%dma_start3A_86 : memref<40x125xi32, #tpu.memory_space<hbm>>) target(%arg7 : memref<40x125xi32, #tpu.memory_space<vmem>>) target_semaphore(%run_scoped3A : memref<!tpu.dma_semaphore, #tpu.memory_space<semaphore_mem>>)
        %dma_wait3A_87 = arith.constant 0 : i32
        %dma_wait3A_88 = tpu.memref_slice %arg4[%add3A_57, %dma_wait3A_87] : memref<1280x125xi32, #tpu.memory_space<hbm>> -> memref<40x125xi32, #tpu.memory_space<hbm>>
        %dma_wait3A_89 = arith.constant 0 : i32
        %dma_wait3A_90 = tpu.memref_slice %arg4[%add3A_57, %dma_wait3A_89] : memref<1280x125xi32, #tpu.memory_space<hbm>> -> memref<40x125xi32, #tpu.memory_space<hbm>>
        tpu.wait_dma2 semaphore(%run_scoped3A : memref<!tpu.dma_semaphore, #tpu.memory_space<semaphore_mem>>) src(%dma_wait3A_90 : memref<40x125xi32, #tpu.memory_space<hbm>>) dst(%arg7 : memref<40x125xi32, #tpu.memory_space<vmem>>)
        tpu.yield
      }) : () -> ()
      %dma_start3A_58 = arith.constant 1 : i32
      %dma_start3A_59 = arith.constant 0 : i32
      %dma_start3A_60 = arith.constant 0 : i32
      %dma_start3A_61 = tpu.memref_slice %arg6[%dma_start3A_59, %dma_start3A_60] : memref<40x125xi32, #tpu.memory_space<vmem>> -> memref<1x125xi32, #tpu.memory_space<vmem>>
      %dma_start3A_62 = tpu.memref_squeeze %dma_start3A_61 : memref<1x125xi32, #tpu.memory_space<vmem>> -> memref<125xi32, #tpu.memory_space<vmem>>
      %dma_start3A_63 = arith.constant 0 : i32
      %dma_start3A_64 = arith.constant 0 : i32
      %dma_start3A_65 = tpu.memref_slice %arg2[%dma_start3A_58, %dma_start3A_63, %dma_start3A_64] : memref<2x10000x128xf32, #tpu.memory_space<hbm>> -> memref<1x10000x128xf32, #tpu.memory_space<hbm>>
      %dma_start3A_66 = tpu.memref_squeeze %dma_start3A_65 : memref<1x10000x128xf32, #tpu.memory_space<hbm>> -> memref<10000x128xf32, #tpu.memory_space<hbm>>
      %dma_start3A_67 = arith.constant 0 : i32
      %dma_start3A_68 = arith.constant 0 : i32
      %dma_start3A_69 = tpu.memref_slice %dma_start3A_66[%dma_start3A_67, %dma_start3A_68] : memref<10000x128xf32, #tpu.memory_space<hbm>> -> memref<10000x128xf32, #tpu.memory_space<hbm>>
      tpu.enqueue_indirect_dma source(%dma_start3A_69 : memref<10000x128xf32, #tpu.memory_space<hbm>>) target(%arg8 : memref<125x128xf32, #tpu.memory_space<vmem>>) offsets(%dma_start3A_62 : memref<125xi32, #tpu.memory_space<vmem>>) semaphore(%arg10 : memref<!tpu.dma_semaphore, #tpu.memory_space<semaphore_mem>>)
      %scan3A_70 = arith.constant 1 : i32
      %scan3A_71 = arith.constant 0 : i32
      %scan3A_72 = arith.constant 20 : i32
      %scan3A_73 = arith.addi %scan3A_71, %scan3A_72 : i32
      %scan3A_74 = arith.constant 1 : i32
      scf.for %scan3A_83 = %scan3A_71 to %scan3A_73 step %scan3A_74  : i32 {
        %mul3A_84 = arith.constant 2 : i32
        %mul3A_85 = arith.muli %scan3A_83, %mul3A_84 : i32
        %add3A_86 = arith.constant 0 : i32
        %add3A_87 = arith.addi %add3A_86, %mul3A_85 : i32
        %add3A_88 = arith.constant 0 : i32
        %add3A_89 = arith.addi %add3A_87, %add3A_88 : i32
        %dma_wait3A_90 = arith.constant 0 : i32
        %dma_wait3A_91 = arith.constant 0 : i32
        %dma_wait3A_92 = tpu.memref_slice %arg6[%dma_wait3A_90, %dma_wait3A_91] : memref<40x125xi32, #tpu.memory_space<vmem>> -> memref<1x125xi32, #tpu.memory_space<vmem>>
        %dma_wait3A_93 = tpu.memref_squeeze %dma_wait3A_92 : memref<1x125xi32, #tpu.memory_space<vmem>> -> memref<125xi32, #tpu.memory_space<vmem>>
        %dma_wait3A_94 = arith.constant 0 : i32
        %dma_wait3A_95 = arith.constant 0 : i32
        %dma_wait3A_96 = tpu.memref_slice %arg2[%scan3A_70, %dma_wait3A_94, %dma_wait3A_95] : memref<2x10000x128xf32, #tpu.memory_space<hbm>> -> memref<1x10000x128xf32, #tpu.memory_space<hbm>>
        %dma_wait3A_97 = tpu.memref_squeeze %dma_wait3A_96 : memref<1x10000x128xf32, #tpu.memory_space<hbm>> -> memref<10000x128xf32, #tpu.memory_space<hbm>>
        %dma_wait3A_98 = arith.constant 0 : i32
        %dma_wait3A_99 = arith.constant 0 : i32
        %dma_wait3A_100 = tpu.memref_slice %dma_wait3A_97[%dma_wait3A_98, %dma_wait3A_99] : memref<10000x128xf32, #tpu.memory_space<hbm>> -> memref<10000x128xf32, #tpu.memory_space<hbm>>
        tpu.wait_indirect_dma semaphore(%arg10 : memref<!tpu.dma_semaphore, #tpu.memory_space<semaphore_mem>>) src(%dma_wait3A_100 : memref<10000x128xf32, #tpu.memory_space<hbm>>) dst(%arg8 : memref<125x128xf32, #tpu.memory_space<vmem>>)
        %ge3A = arith.constant 1 : i32
        %ge3A_101 = arith.cmpi sge, %add3A_87, %ge3A : i32
        %convert_element_type3A_102 = arith.extui %ge3A_101 : i1 to i32
        %cond3A_103 = arith.constant 0 : i32
        %cond3A_104 = arith.cmpi ne, %convert_element_type3A_102, %cond3A_103 : i32
        scf.if %cond3A_104 {
          %dma_wait3A_150 = arith.constant 0 : i32
          %dma_wait3A_151 = arith.constant 0 : i32
          %dma_wait3A_152 = tpu.memref_slice %arg7[%dma_wait3A_150, %dma_wait3A_151] : memref<40x125xi32, #tpu.memory_space<vmem>> -> memref<1x125xi32, #tpu.memory_space<vmem>>
          %dma_wait3A_153 = tpu.memref_squeeze %dma_wait3A_152 : memref<1x125xi32, #tpu.memory_space<vmem>> -> memref<125xi32, #tpu.memory_space<vmem>>
          %dma_wait3A_154 = arith.constant 0 : i32
          %dma_wait3A_155 = arith.constant 0 : i32
          %dma_wait3A_156 = tpu.memref_slice %arg14[%dma_wait3A_154, %dma_wait3A_155] : memref<10000x128xf32, #tpu.memory_space<vmem_shared>> -> memref<10000x128xf32, #tpu.memory_space<vmem_shared>>
          tpu.wait_indirect_dma semaphore(%arg13 : memref<!tpu.dma_semaphore, #tpu.memory_space<semaphore_mem>>) src(%arg9 : memref<125x128xf32, #tpu.memory_space<vmem>>) dst(%dma_wait3A_156 : memref<10000x128xf32, #tpu.memory_space<vmem_shared>>)
        } else {
        }
        %add3A_105 = arith.constant 1 : i32
        %add3A_106 = arith.addi %add3A_89, %add3A_105 : i32
        %lt3A = arith.constant 40 : i32
        %lt3A_107 = arith.cmpi slt, %add3A_106, %lt3A : i32
        %convert_element_type3A_108 = arith.extui %lt3A_107 : i1 to i32
        %cond3A_109 = arith.constant 0 : i32
        %cond3A_110 = arith.cmpi ne, %convert_element_type3A_108, %cond3A_109 : i32
        scf.if %cond3A_110 {
          %dma_start3A_150 = arith.constant 0 : i32
          %dma_start3A_151 = tpu.memref_slice %arg6[%add3A_106, %dma_start3A_150] : memref<40x125xi32, #tpu.memory_space<vmem>> -> memref<1x125xi32, #tpu.memory_space<vmem>>
          %dma_start3A_152 = tpu.memref_squeeze %dma_start3A_151 : memref<1x125xi32, #tpu.memory_space<vmem>> -> memref<125xi32, #tpu.memory_space<vmem>>
          %dma_start3A_153 = arith.constant 0 : i32
          %dma_start3A_154 = arith.constant 0 : i32
          %dma_start3A_155 = tpu.memref_slice %arg2[%scan3A_70, %dma_start3A_153, %dma_start3A_154] : memref<2x10000x128xf32, #tpu.memory_space<hbm>> -> memref<1x10000x128xf32, #tpu.memory_space<hbm>>
          %dma_start3A_156 = tpu.memref_squeeze %dma_start3A_155 : memref<1x10000x128xf32, #tpu.memory_space<hbm>> -> memref<10000x128xf32, #tpu.memory_space<hbm>>
          %dma_start3A_157 = arith.constant 0 : i32
          %dma_start3A_158 = arith.constant 0 : i32
          %dma_start3A_159 = tpu.memref_slice %dma_start3A_156[%dma_start3A_157, %dma_start3A_158] : memref<10000x128xf32, #tpu.memory_space<hbm>> -> memref<10000x128xf32, #tpu.memory_space<hbm>>
          tpu.enqueue_indirect_dma source(%dma_start3A_159 : memref<10000x128xf32, #tpu.memory_space<hbm>>) target(%arg9 : memref<125x128xf32, #tpu.memory_space<vmem>>) offsets(%dma_start3A_152 : memref<125xi32, #tpu.memory_space<vmem>>) semaphore(%arg11 : memref<!tpu.dma_semaphore, #tpu.memory_space<semaphore_mem>>)
        } else {
        }
        %dma_start3A_111 = arith.constant 0 : i32
        %dma_start3A_112 = tpu.memref_slice %arg7[%add3A_89, %dma_start3A_111] : memref<40x125xi32, #tpu.memory_space<vmem>> -> memref<1x125xi32, #tpu.memory_space<vmem>>
        %dma_start3A_113 = tpu.memref_squeeze %dma_start3A_112 : memref<1x125xi32, #tpu.memory_space<vmem>> -> memref<125xi32, #tpu.memory_space<vmem>>
        %dma_start3A_114 = arith.constant 0 : i32
        %dma_start3A_115 = arith.constant 0 : i32
        %dma_start3A_116 = tpu.memref_slice %arg14[%dma_start3A_114, %dma_start3A_115] : memref<10000x128xf32, #tpu.memory_space<vmem_shared>> -> memref<10000x128xf32, #tpu.memory_space<vmem_shared>>
        tpu.enqueue_indirect_dma source(%arg8 : memref<125x128xf32, #tpu.memory_space<vmem>>) target(%dma_start3A_116 : memref<10000x128xf32, #tpu.memory_space<vmem_shared>>) offsets(%dma_start3A_113 : memref<125xi32, #tpu.memory_space<vmem>>) semaphore(%arg12 : memref<!tpu.dma_semaphore, #tpu.memory_space<semaphore_mem>>) {add = true}
        %add3A_117 = arith.constant 1 : i32
        %add3A_118 = arith.addi %add3A_87, %add3A_117 : i32
        %dma_wait3A_119 = arith.constant 0 : i32
        %dma_wait3A_120 = arith.constant 0 : i32
        %dma_wait3A_121 = tpu.memref_slice %arg6[%dma_wait3A_119, %dma_wait3A_120] : memref<40x125xi32, #tpu.memory_space<vmem>> -> memref<1x125xi32, #tpu.memory_space<vmem>>
        %dma_wait3A_122 = tpu.memref_squeeze %dma_wait3A_121 : memref<1x125xi32, #tpu.memory_space<vmem>> -> memref<125xi32, #tpu.memory_space<vmem>>
        %dma_wait3A_123 = arith.constant 0 : i32
        %dma_wait3A_124 = arith.constant 0 : i32
        %dma_wait3A_125 = tpu.memref_slice %arg2[%scan3A_70, %dma_wait3A_123, %dma_wait3A_124] : memref<2x10000x128xf32, #tpu.memory_space<hbm>> -> memref<1x10000x128xf32, #tpu.memory_space<hbm>>
        %dma_wait3A_126 = tpu.memref_squeeze %dma_wait3A_125 : memref<1x10000x128xf32, #tpu.memory_space<hbm>> -> memref<10000x128xf32, #tpu.memory_space<hbm>>
        %dma_wait3A_127 = arith.constant 0 : i32
        %dma_wait3A_128 = arith.constant 0 : i32
        %dma_wait3A_129 = tpu.memref_slice %dma_wait3A_126[%dma_wait3A_127, %dma_wait3A_128] : memref<10000x128xf32, #tpu.memory_space<hbm>> -> memref<10000x128xf32, #tpu.memory_space<hbm>>
        tpu.wait_indirect_dma semaphore(%arg11 : memref<!tpu.dma_semaphore, #tpu.memory_space<semaphore_mem>>) src(%dma_wait3A_129 : memref<10000x128xf32, #tpu.memory_space<hbm>>) dst(%arg9 : memref<125x128xf32, #tpu.memory_space<vmem>>)
        %dma_wait3A_130 = arith.constant 0 : i32
        %dma_wait3A_131 = arith.constant 0 : i32
        %dma_wait3A_132 = tpu.memref_slice %arg7[%dma_wait3A_130, %dma_wait3A_131] : memref<40x125xi32, #tpu.memory_space<vmem>> -> memref<1x125xi32, #tpu.memory_space<vmem>>
        %dma_wait3A_133 = tpu.memref_squeeze %dma_wait3A_132 : memref<1x125xi32, #tpu.memory_space<vmem>> -> memref<125xi32, #tpu.memory_space<vmem>>
        %dma_wait3A_134 = arith.constant 0 : i32
        %dma_wait3A_135 = arith.constant 0 : i32
        %dma_wait3A_136 = tpu.memref_slice %arg14[%dma_wait3A_134, %dma_wait3A_135] : memref<10000x128xf32, #tpu.memory_space<vmem_shared>> -> memref<10000x128xf32, #tpu.memory_space<vmem_shared>>
        tpu.wait_indirect_dma semaphore(%arg12 : memref<!tpu.dma_semaphore, #tpu.memory_space<semaphore_mem>>) src(%arg8 : memref<125x128xf32, #tpu.memory_space<vmem>>) dst(%dma_wait3A_136 : memref<10000x128xf32, #tpu.memory_space<vmem_shared>>)
        %add3A_137 = arith.constant 1 : i32
        %add3A_138 = arith.addi %add3A_118, %add3A_137 : i32
        %lt3A_139 = arith.constant 40 : i32
        %lt3A_140 = arith.cmpi slt, %add3A_138, %lt3A_139 : i32
        %convert_element_type3A_141 = arith.extui %lt3A_140 : i1 to i32
        %cond3A_142 = arith.constant 0 : i32
        %cond3A_143 = arith.cmpi ne, %convert_element_type3A_141, %cond3A_142 : i32
        scf.if %cond3A_143 {
          %dma_start3A_150 = arith.constant 0 : i32
          %dma_start3A_151 = tpu.memref_slice %arg6[%add3A_138, %dma_start3A_150] : memref<40x125xi32, #tpu.memory_space<vmem>> -> memref<1x125xi32, #tpu.memory_space<vmem>>
          %dma_start3A_152 = tpu.memref_squeeze %dma_start3A_151 : memref<1x125xi32, #tpu.memory_space<vmem>> -> memref<125xi32, #tpu.memory_space<vmem>>
          %dma_start3A_153 = arith.constant 0 : i32
          %dma_start3A_154 = arith.constant 0 : i32
          %dma_start3A_155 = tpu.memref_slice %arg2[%scan3A_70, %dma_start3A_153, %dma_start3A_154] : memref<2x10000x128xf32, #tpu.memory_space<hbm>> -> memref<1x10000x128xf32, #tpu.memory_space<hbm>>
          %dma_start3A_156 = tpu.memref_squeeze %dma_start3A_155 : memref<1x10000x128xf32, #tpu.memory_space<hbm>> -> memref<10000x128xf32, #tpu.memory_space<hbm>>
          %dma_start3A_157 = arith.constant 0 : i32
          %dma_start3A_158 = arith.constant 0 : i32
          %dma_start3A_159 = tpu.memref_slice %dma_start3A_156[%dma_start3A_157, %dma_start3A_158] : memref<10000x128xf32, #tpu.memory_space<hbm>> -> memref<10000x128xf32, #tpu.memory_space<hbm>>
          tpu.enqueue_indirect_dma source(%dma_start3A_159 : memref<10000x128xf32, #tpu.memory_space<hbm>>) target(%arg8 : memref<125x128xf32, #tpu.memory_space<vmem>>) offsets(%dma_start3A_152 : memref<125xi32, #tpu.memory_space<vmem>>) semaphore(%arg10 : memref<!tpu.dma_semaphore, #tpu.memory_space<semaphore_mem>>)
        } else {
        }
        %dma_start3A_144 = arith.constant 0 : i32
        %dma_start3A_145 = tpu.memref_slice %arg7[%add3A_118, %dma_start3A_144] : memref<40x125xi32, #tpu.memory_space<vmem>> -> memref<1x125xi32, #tpu.memory_space<vmem>>
        %dma_start3A_146 = tpu.memref_squeeze %dma_start3A_145 : memref<1x125xi32, #tpu.memory_space<vmem>> -> memref<125xi32, #tpu.memory_space<vmem>>
        %dma_start3A_147 = arith.constant 0 : i32
        %dma_start3A_148 = arith.constant 0 : i32
        %dma_start3A_149 = tpu.memref_slice %arg14[%dma_start3A_147, %dma_start3A_148] : memref<10000x128xf32, #tpu.memory_space<vmem_shared>> -> memref<10000x128xf32, #tpu.memory_space<vmem_shared>>
        tpu.enqueue_indirect_dma source(%arg9 : memref<125x128xf32, #tpu.memory_space<vmem>>) target(%dma_start3A_149 : memref<10000x128xf32, #tpu.memory_space<vmem_shared>>) offsets(%dma_start3A_146 : memref<125xi32, #tpu.memory_space<vmem>>) semaphore(%arg13 : memref<!tpu.dma_semaphore, #tpu.memory_space<semaphore_mem>>) {add = true}
      }
      %scan3A_75 = arith.constant 20 : i32
      %dma_wait3A_76 = arith.constant 0 : i32
      %dma_wait3A_77 = arith.constant 0 : i32
      %dma_wait3A_78 = tpu.memref_slice %arg7[%dma_wait3A_76, %dma_wait3A_77] : memref<40x125xi32, #tpu.memory_space<vmem>> -> memref<1x125xi32, #tpu.memory_space<vmem>>
      %dma_wait3A_79 = tpu.memref_squeeze %dma_wait3A_78 : memref<1x125xi32, #tpu.memory_space<vmem>> -> memref<125xi32, #tpu.memory_space<vmem>>
      %dma_wait3A_80 = arith.constant 0 : i32
      %dma_wait3A_81 = arith.constant 0 : i32
      %dma_wait3A_82 = tpu.memref_slice %arg14[%dma_wait3A_80, %dma_wait3A_81] : memref<10000x128xf32, #tpu.memory_space<vmem_shared>> -> memref<10000x128xf32, #tpu.memory_space<vmem_shared>>
      tpu.wait_indirect_dma semaphore(%arg13 : memref<!tpu.dma_semaphore, #tpu.memory_space<semaphore_mem>>) src(%arg9 : memref<125x128xf32, #tpu.memory_space<vmem>>) dst(%dma_wait3A_82 : memref<10000x128xf32, #tpu.memory_space<vmem_shared>>)
    } else {
    }
    %barrier3A_18 = arith.constant 0 : index
    tpu.barrier barrier_id(%barrier3A_18)
    %eq3A_19 = arith.constant 0 : i32
    %eq3A_20 = arith.cmpi eq, %arg0, %eq3A_19 : i32
    %convert_element_type3A_21 = arith.extui %eq3A_20 : i1 to i32
    %cond3A_22 = arith.constant 0 : i32
    %cond3A_23 = arith.cmpi ne, %convert_element_type3A_21, %cond3A_22 : i32
    scf.if %cond3A_23 {
      %run_scoped3A = arith.constant 0 : i32
      "tpu.region"() ({
        %run_scoped3A_34 = tpu.sem_alloc : memref<!tpu.dma_semaphore, #tpu.memory_space<semaphore_mem>>
        %dma_start3A = arith.constant 0 : i32
        %dma_start3A_35 = arith.constant 0 : i32
        %dma_start3A_36 = tpu.memref_slice %arg5[%run_scoped3A, %dma_start3A, %dma_start3A_35] : memref<2x10000x128xf32, #tpu.memory_space<hbm>> -> memref<1x10000x128xf32, #tpu.memory_space<hbm>>
        %dma_start3A_37 = tpu.memref_squeeze %dma_start3A_36 : memref<1x10000x128xf32, #tpu.memory_space<hbm>> -> memref<10000x128xf32, #tpu.memory_space<hbm>>
        %dma_start3A_38 = arith.constant 0 : i32
        %dma_start3A_39 = tpu.memref_slice %dma_start3A_37[%mul3A_0, %dma_start3A_38] : memref<10000x128xf32, #tpu.memory_space<hbm>> -> memref<624x128xf32, #tpu.memory_space<hbm>>
        %dma_start3A_40 = arith.constant 0 : i32
        %dma_start3A_41 = tpu.memref_slice %arg14[%mul3A_0, %dma_start3A_40] : memref<10000x128xf32, #tpu.memory_space<vmem_shared>> -> memref<624x128xf32, #tpu.memory_space<vmem_shared>>
        tpu.enqueue_dma source(%dma_start3A_41 : memref<624x128xf32, #tpu.memory_space<vmem_shared>>) target(%dma_start3A_39 : memref<624x128xf32, #tpu.memory_space<hbm>>) target_semaphore(%run_scoped3A_34 : memref<!tpu.dma_semaphore, #tpu.memory_space<semaphore_mem>>)
        %dma_wait3A = arith.constant 0 : i32
        %dma_wait3A_42 = arith.constant 0 : i32
        %dma_wait3A_43 = tpu.memref_slice %arg5[%run_scoped3A, %dma_wait3A, %dma_wait3A_42] : memref<2x10000x128xf32, #tpu.memory_space<hbm>> -> memref<1x10000x128xf32, #tpu.memory_space<hbm>>
        %dma_wait3A_44 = tpu.memref_squeeze %dma_wait3A_43 : memref<1x10000x128xf32, #tpu.memory_space<hbm>> -> memref<10000x128xf32, #tpu.memory_space<hbm>>
        %dma_wait3A_45 = arith.constant 0 : i32
        %dma_wait3A_46 = tpu.memref_slice %dma_wait3A_44[%mul3A_0, %dma_wait3A_45] : memref<10000x128xf32, #tpu.memory_space<hbm>> -> memref<624x128xf32, #tpu.memory_space<hbm>>
        %dma_wait3A_47 = arith.constant 0 : i32
        %dma_wait3A_48 = tpu.memref_slice %arg14[%mul3A_0, %dma_wait3A_47] : memref<10000x128xf32, #tpu.memory_space<vmem_shared>> -> memref<624x128xf32, #tpu.memory_space<vmem_shared>>
        tpu.wait_dma2 semaphore(%run_scoped3A_34 : memref<!tpu.dma_semaphore, #tpu.memory_space<semaphore_mem>>) src(%dma_wait3A_48 : memref<624x128xf32, #tpu.memory_space<vmem_shared>>) dst(%dma_wait3A_46 : memref<624x128xf32, #tpu.memory_space<hbm>>)
        tpu.yield
      }) : () -> ()
      %eq3A_29 = arith.constant 15 : i32
      %eq3A_30 = arith.cmpi eq, %arg1, %eq3A_29 : i32
      %convert_element_type3A_31 = arith.extui %eq3A_30 : i1 to i32
      %cond3A_32 = arith.constant 0 : i32
      %cond3A_33 = arith.cmpi ne, %convert_element_type3A_31, %cond3A_32 : i32
      scf.if %cond3A_33 {
        %run_scoped3A_34 = arith.constant 0 : i32
        "tpu.region"() ({
          %run_scoped3A_35 = tpu.sem_alloc : memref<!tpu.dma_semaphore, #tpu.memory_space<semaphore_mem>>
          %dma_start3A = arith.constant 0 : i32
          %dma_start3A_36 = arith.constant 0 : i32
          %dma_start3A_37 = tpu.memref_slice %arg5[%run_scoped3A_34, %dma_start3A, %dma_start3A_36] : memref<2x10000x128xf32, #tpu.memory_space<hbm>> -> memref<1x10000x128xf32, #tpu.memory_space<hbm>>
          %dma_start3A_38 = tpu.memref_squeeze %dma_start3A_37 : memref<1x10000x128xf32, #tpu.memory_space<hbm>> -> memref<10000x128xf32, #tpu.memory_space<hbm>>
          %dma_start3A_39 = arith.constant 9984 : i32
          %dma_start3A_40 = arith.constant 0 : i32
          %dma_start3A_41 = tpu.memref_slice %dma_start3A_38[%dma_start3A_39, %dma_start3A_40] : memref<10000x128xf32, #tpu.memory_space<hbm>> -> memref<16x128xf32, #tpu.memory_space<hbm>>
          %dma_start3A_42 = arith.constant 9984 : i32
          %dma_start3A_43 = arith.constant 0 : i32
          %dma_start3A_44 = tpu.memref_slice %arg14[%dma_start3A_42, %dma_start3A_43] : memref<10000x128xf32, #tpu.memory_space<vmem_shared>> -> memref<16x128xf32, #tpu.memory_space<vmem_shared>>
          tpu.enqueue_dma source(%dma_start3A_44 : memref<16x128xf32, #tpu.memory_space<vmem_shared>>) target(%dma_start3A_41 : memref<16x128xf32, #tpu.memory_space<hbm>>) target_semaphore(%run_scoped3A_35 : memref<!tpu.dma_semaphore, #tpu.memory_space<semaphore_mem>>)
          %dma_wait3A = arith.constant 0 : i32
          %dma_wait3A_45 = arith.constant 0 : i32
          %dma_wait3A_46 = tpu.memref_slice %arg5[%run_scoped3A_34, %dma_wait3A, %dma_wait3A_45] : memref<2x10000x128xf32, #tpu.memory_space<hbm>> -> memref<1x10000x128xf32, #tpu.memory_space<hbm>>
          %dma_wait3A_47 = tpu.memref_squeeze %dma_wait3A_46 : memref<1x10000x128xf32, #tpu.memory_space<hbm>> -> memref<10000x128xf32, #tpu.memory_space<hbm>>
          %dma_wait3A_48 = arith.constant 9984 : i32
          %dma_wait3A_49 = arith.constant 0 : i32
          %dma_wait3A_50 = tpu.memref_slice %dma_wait3A_47[%dma_wait3A_48, %dma_wait3A_49] : memref<10000x128xf32, #tpu.memory_space<hbm>> -> memref<16x128xf32, #tpu.memory_space<hbm>>
          %dma_wait3A_51 = arith.constant 9984 : i32
          %dma_wait3A_52 = arith.constant 0 : i32
          %dma_wait3A_53 = tpu.memref_slice %arg14[%dma_wait3A_51, %dma_wait3A_52] : memref<10000x128xf32, #tpu.memory_space<vmem_shared>> -> memref<16x128xf32, #tpu.memory_space<vmem_shared>>
          tpu.wait_dma2 semaphore(%run_scoped3A_35 : memref<!tpu.dma_semaphore, #tpu.memory_space<semaphore_mem>>) src(%dma_wait3A_53 : memref<16x128xf32, #tpu.memory_space<vmem_shared>>) dst(%dma_wait3A_50 : memref<16x128xf32, #tpu.memory_space<hbm>>)
          tpu.yield
        }) : () -> ()
      } else {
      }
    } else {
    }
    %eq3A_24 = arith.constant 1 : i32
    %eq3A_25 = arith.cmpi eq, %arg0, %eq3A_24 : i32
    %convert_element_type3A_26 = arith.extui %eq3A_25 : i1 to i32
    %cond3A_27 = arith.constant 0 : i32
    %cond3A_28 = arith.cmpi ne, %convert_element_type3A_26, %cond3A_27 : i32
    scf.if %cond3A_28 {
      %run_scoped3A = arith.constant 1 : i32
      "tpu.region"() ({
        %run_scoped3A_34 = tpu.sem_alloc : memref<!tpu.dma_semaphore, #tpu.memory_space<semaphore_mem>>
        %dma_start3A = arith.constant 0 : i32
        %dma_start3A_35 = arith.constant 0 : i32
        %dma_start3A_36 = tpu.memref_slice %arg5[%run_scoped3A, %dma_start3A, %dma_start3A_35] : memref<2x10000x128xf32, #tpu.memory_space<hbm>> -> memref<1x10000x128xf32, #tpu.memory_space<hbm>>
        %dma_start3A_37 = tpu.memref_squeeze %dma_start3A_36 : memref<1x10000x128xf32, #tpu.memory_space<hbm>> -> memref<10000x128xf32, #tpu.memory_space<hbm>>
        %dma_start3A_38 = arith.constant 0 : i32
        %dma_start3A_39 = tpu.memref_slice %dma_start3A_37[%mul3A_0, %dma_start3A_38] : memref<10000x128xf32, #tpu.memory_space<hbm>> -> memref<624x128xf32, #tpu.memory_space<hbm>>
        %dma_start3A_40 = arith.constant 0 : i32
        %dma_start3A_41 = tpu.memref_slice %arg14[%mul3A_0, %dma_start3A_40] : memref<10000x128xf32, #tpu.memory_space<vmem_shared>> -> memref<624x128xf32, #tpu.memory_space<vmem_shared>>
        tpu.enqueue_dma source(%dma_start3A_41 : memref<624x128xf32, #tpu.memory_space<vmem_shared>>) target(%dma_start3A_39 : memref<624x128xf32, #tpu.memory_space<hbm>>) target_semaphore(%run_scoped3A_34 : memref<!tpu.dma_semaphore, #tpu.memory_space<semaphore_mem>>)
        %dma_wait3A = arith.constant 0 : i32
        %dma_wait3A_42 = arith.constant 0 : i32
        %dma_wait3A_43 = tpu.memref_slice %arg5[%run_scoped3A, %dma_wait3A, %dma_wait3A_42] : memref<2x10000x128xf32, #tpu.memory_space<hbm>> -> memref<1x10000x128xf32, #tpu.memory_space<hbm>>
        %dma_wait3A_44 = tpu.memref_squeeze %dma_wait3A_43 : memref<1x10000x128xf32, #tpu.memory_space<hbm>> -> memref<10000x128xf32, #tpu.memory_space<hbm>>
        %dma_wait3A_45 = arith.constant 0 : i32
        %dma_wait3A_46 = tpu.memref_slice %dma_wait3A_44[%mul3A_0, %dma_wait3A_45] : memref<10000x128xf32, #tpu.memory_space<hbm>> -> memref<624x128xf32, #tpu.memory_space<hbm>>
        %dma_wait3A_47 = arith.constant 0 : i32
        %dma_wait3A_48 = tpu.memref_slice %arg14[%mul3A_0, %dma_wait3A_47] : memref<10000x128xf32, #tpu.memory_space<vmem_shared>> -> memref<624x128xf32, #tpu.memory_space<vmem_shared>>
        tpu.wait_dma2 semaphore(%run_scoped3A_34 : memref<!tpu.dma_semaphore, #tpu.memory_space<semaphore_mem>>) src(%dma_wait3A_48 : memref<624x128xf32, #tpu.memory_space<vmem_shared>>) dst(%dma_wait3A_46 : memref<624x128xf32, #tpu.memory_space<hbm>>)
        tpu.yield
      }) : () -> ()
      %eq3A_29 = arith.constant 15 : i32
      %eq3A_30 = arith.cmpi eq, %arg1, %eq3A_29 : i32
      %convert_element_type3A_31 = arith.extui %eq3A_30 : i1 to i32
      %cond3A_32 = arith.constant 0 : i32
      %cond3A_33 = arith.cmpi ne, %convert_element_type3A_31, %cond3A_32 : i32
      scf.if %cond3A_33 {
        %run_scoped3A_34 = arith.constant 1 : i32
        "tpu.region"() ({
          %run_scoped3A_35 = tpu.sem_alloc : memref<!tpu.dma_semaphore, #tpu.memory_space<semaphore_mem>>
          %dma_start3A = arith.constant 0 : i32
          %dma_start3A_36 = arith.constant 0 : i32
          %dma_start3A_37 = tpu.memref_slice %arg5[%run_scoped3A_34, %dma_start3A, %dma_start3A_36] : memref<2x10000x128xf32, #tpu.memory_space<hbm>> -> memref<1x10000x128xf32, #tpu.memory_space<hbm>>
          %dma_start3A_38 = tpu.memref_squeeze %dma_start3A_37 : memref<1x10000x128xf32, #tpu.memory_space<hbm>> -> memref<10000x128xf32, #tpu.memory_space<hbm>>
          %dma_start3A_39 = arith.constant 9984 : i32
          %dma_start3A_40 = arith.constant 0 : i32
          %dma_start3A_41 = tpu.memref_slice %dma_start3A_38[%dma_start3A_39, %dma_start3A_40] : memref<10000x128xf32, #tpu.memory_space<hbm>> -> memref<16x128xf32, #tpu.memory_space<hbm>>
          %dma_start3A_42 = arith.constant 9984 : i32
          %dma_start3A_43 = arith.constant 0 : i32
          %dma_start3A_44 = tpu.memref_slice %arg14[%dma_start3A_42, %dma_start3A_43] : memref<10000x128xf32, #tpu.memory_space<vmem_shared>> -> memref<16x128xf32, #tpu.memory_space<vmem_shared>>
          tpu.enqueue_dma source(%dma_start3A_44 : memref<16x128xf32, #tpu.memory_space<vmem_shared>>) target(%dma_start3A_41 : memref<16x128xf32, #tpu.memory_space<hbm>>) target_semaphore(%run_scoped3A_35 : memref<!tpu.dma_semaphore, #tpu.memory_space<semaphore_mem>>)
          %dma_wait3A = arith.constant 0 : i32
          %dma_wait3A_45 = arith.constant 0 : i32
          %dma_wait3A_46 = tpu.memref_slice %arg5[%run_scoped3A_34, %dma_wait3A, %dma_wait3A_45] : memref<2x10000x128xf32, #tpu.memory_space<hbm>> -> memref<1x10000x128xf32, #tpu.memory_space<hbm>>
          %dma_wait3A_47 = tpu.memref_squeeze %dma_wait3A_46 : memref<1x10000x128xf32, #tpu.memory_space<hbm>> -> memref<10000x128xf32, #tpu.memory_space<hbm>>
          %dma_wait3A_48 = arith.constant 9984 : i32
          %dma_wait3A_49 = arith.constant 0 : i32
          %dma_wait3A_50 = tpu.memref_slice %dma_wait3A_47[%dma_wait3A_48, %dma_wait3A_49] : memref<10000x128xf32, #tpu.memory_space<hbm>> -> memref<16x128xf32, #tpu.memory_space<hbm>>
          %dma_wait3A_51 = arith.constant 9984 : i32
          %dma_wait3A_52 = arith.constant 0 : i32
          %dma_wait3A_53 = tpu.memref_slice %arg14[%dma_wait3A_51, %dma_wait3A_52] : memref<10000x128xf32, #tpu.memory_space<vmem_shared>> -> memref<16x128xf32, #tpu.memory_space<vmem_shared>>
          tpu.wait_dma2 semaphore(%run_scoped3A_35 : memref<!tpu.dma_semaphore, #tpu.memory_space<semaphore_mem>>) src(%dma_wait3A_53 : memref<16x128xf32, #tpu.memory_space<vmem_shared>>) dst(%dma_wait3A_50 : memref<16x128xf32, #tpu.memory_space<hbm>>)
          tpu.yield
        }) : () -> ()
      } else {
      }
    } else {
    }
    return
  }
}

module attributes {stable_mosaic.version = 14 : i64} {
  func.func @_mm_body(%arg0: i32, %arg1: i32, %arg2: memref<2000x256xf32, #tpu.memory_space<vmem>>, %arg3: memref<256x128xf32, #tpu.memory_space<vmem>>, %arg4: memref<2000x1xf32, #tpu.memory_space<vmem>>, %arg5: memref<1x2000x128xf32, #tpu.memory_space<vmem>>) attributes {dimension_semantics = [#tpu.dimension_semantics<arbitrary>, #tpu.dimension_semantics<arbitrary>], iteration_bounds = array<i64: 5, 2>, scalar_prefetch = 0 : i64, scratch_operands = 0 : i64, tpu.core_type = #tpu.core_type<tc>, window_params = [{transform_indices = @transform_0, window_bounds = array<i64: 2000, 256>}, {transform_indices = @transform_1, window_bounds = array<i64: 256, 128>}, {transform_indices = @transform_2, window_bounds = array<i64: 2000, 1>}, {transform_indices = @transform_3, window_bounds = array<i64: 1, 2000, 128>}]} {
    %get3A = arith.constant 0 : index
    %get3A_0 = arith.constant 0 : index
    %get3A_1 = vector.load %arg2[%get3A, %get3A_0] : memref<2000x256xf32, #tpu.memory_space<vmem>>, vector<2000x256xf32>
    %get3A_2 = arith.constant 0 : index
    %get3A_3 = arith.constant 0 : index
    %get3A_4 = vector.load %arg3[%get3A_2, %get3A_3] : memref<256x128xf32, #tpu.memory_space<vmem>>, vector<256x128xf32>
    %dot_general3A = arith.constant dense<0.000000e+00> : vector<2000x128xf32>
    %dot_general3A_5 = tpu.matmul %get3A_1, %get3A_4, %dot_general3A {dimension_numbers = #tpu.dot_dimension_numbers<[1], [0], [0], [1], [0, 0, 1, 1], [], []>, transpose_lhs_hint = false} : vector<2000x256xf32>, vector<256x128xf32>, vector<2000x128xf32> -> vector<2000x128xf32>
    %get3A_6 = arith.constant 0 : index
    %get3A_7 = arith.constant 0 : index
    %get3A_8 = vector.load %arg4[%get3A_6, %get3A_7] : memref<2000x1xf32, #tpu.memory_space<vmem>>, vector<2000x1xf32>
    %mul3A = vector.broadcast %get3A_8 : vector<2000x1xf32> to vector<2000x128xf32>
    %mul3A_9 = arith.mulf %dot_general3A_5, %mul3A : vector<2000x128xf32>
    %swap3A = arith.constant 0 : index
    %swap3A_10 = arith.constant 0 : index
    %swap3A_11 = arith.constant 0 : index
    %swap3A_12 = vector.load %arg5[%swap3A, %swap3A_10, %swap3A_11] : memref<1x2000x128xf32, #tpu.memory_space<vmem>>, vector<1x2000x128xf32>
    %swap3A_13 = vector.shape_cast %swap3A_12 : vector<1x2000x128xf32> to vector<2000x128xf32>
    %swap3A_14 = vector.shape_cast %mul3A_9 : vector<2000x128xf32> to vector<1x2000x128xf32>
    tpu.vector_store %arg5[%swap3A, %swap3A_10, %swap3A_11], %swap3A_14 {strides = array<i32>} : memref<1x2000x128xf32, #tpu.memory_space<vmem>>, vector<1x2000x128xf32>,
    return
  }
  func.func @transform_0(%arg0: i32, %arg1: i32) -> (i32, i32) {
    %c0_i32 = arith.constant 0 : i32
    %c0_i32_0 = arith.constant 0 : i32
    return %arg0, %c0_i32 : i32, i32
  }
  func.func @transform_1(%arg0: i32, %arg1: i32) -> (i32, i32) {
    %c0_i32 = arith.constant 0 : i32
    %c0_i32_0 = arith.constant 0 : i32
    return %c0_i32, %arg1 : i32, i32
  }
  func.func @transform_2(%arg0: i32, %arg1: i32) -> (i32, i32) {
    %c0_i32 = arith.constant 0 : i32
    %c0_i32_0 = arith.constant 0 : i32
    return %arg0, %c0_i32 : i32, i32
  }
  func.func @transform_3(%arg0: i32, %arg1: i32) -> (i32, i32, i32) {
    %c0_i32 = arith.constant 0 : i32
    %c0_i32_0 = arith.constant 0 : i32
    return %arg1, %arg0, %c0_i32 : i32, i32, i32
  }
}

module attributes {stable_mosaic.version = 14 : i64} {
  func.func @_pool_body(%arg0: i32, %arg1: memref<2x2000x128xf32, #tpu.memory_space<vmem>>, %arg2: memref<2000x1xf32, #tpu.memory_space<vmem>>, %arg3: memref<1x256xf32, #tpu.memory_space<vmem>>, %arg4: memref<1x1x2000xi32, #tpu.memory_space<vmem>>, %arg5: memref<100x256xf32, #tpu.memory_space<vmem>>, %arg6: memref<100x1xf32, #tpu.memory_space<vmem>>) attributes {dimension_semantics = [#tpu.dimension_semantics<arbitrary>], iteration_bounds = array<i64: 5>, scalar_prefetch = 0 : i64, scratch_operands = 1 : i64, tpu.core_type = #tpu.core_type<tc>, window_params = [{transform_indices = @transform_0, window_bounds = array<i64: 2, 2000, 128>}, {transform_indices = @transform_1, window_bounds = array<i64: 2000, 1>}, {pipeline_mode = #tpu.pipeline_mode<synchronous>, transform_indices = @transform_2, window_bounds = array<i64: 1, 256>}, {transform_indices = @transform_3, window_bounds = array<i64: 1, 1, 2000>}, {pipeline_mode = #tpu.pipeline_mode<synchronous>, transform_indices = @transform_4, window_bounds = array<i64: 100, 256>}]} {
    %eq3A = arith.constant 0 : i32
    %eq3A_0 = arith.cmpi eq, %arg0, %eq3A : i32
    %convert_element_type3A = arith.extui %eq3A_0 : i1 to i32
    %cond3A = arith.constant 0 : i32
    %cond3A_1 = arith.cmpi ne, %convert_element_type3A, %cond3A : i32
    scf.if %cond3A_1 {
      %broadcast_in_dim3A_50 = arith.constant 0.000000e+00 : f32
      %broadcast_in_dim3A_51 = vector.broadcast %broadcast_in_dim3A_50 : f32 to vector<100x256xf32>
      %swap3A_52 = arith.constant 0 : index
      %swap3A_53 = arith.constant 0 : index
      %swap3A_54 = vector.load %arg5[%swap3A_52, %swap3A_53] : memref<100x256xf32, #tpu.memory_space<vmem>>, vector<100x256xf32>
      tpu.vector_store %arg5[%swap3A_52, %swap3A_53], %broadcast_in_dim3A_51 {strides = array<i32>} : memref<100x256xf32, #tpu.memory_space<vmem>>, vector<100x256xf32>,
      %broadcast_in_dim3A_55 = arith.constant 0.000000e+00 : f32
      %broadcast_in_dim3A_56 = vector.broadcast %broadcast_in_dim3A_55 : f32 to vector<100x1xf32>
      %swap3A_57 = arith.constant 0 : index
      %swap3A_58 = arith.constant 0 : index
      %swap3A_59 = vector.load %arg6[%swap3A_57, %swap3A_58] : memref<100x1xf32, #tpu.memory_space<vmem>>, vector<100x1xf32>
      tpu.vector_store %arg6[%swap3A_57, %swap3A_58], %broadcast_in_dim3A_56 {strides = array<i32>} : memref<100x1xf32, #tpu.memory_space<vmem>>, vector<100x1xf32>,
    } else {
    }
    %get3A = arith.constant 0 : index
    %get3A_2 = arith.constant 0 : index
    %get3A_3 = arith.constant 0 : index
    %get3A_4 = vector.load %arg1[%get3A, %get3A_2, %get3A_3] : memref<2x2000x128xf32, #tpu.memory_space<vmem>>, vector<1x2000x128xf32>
    %get3A_5 = vector.shape_cast %get3A_4 : vector<1x2000x128xf32> to vector<2000x128xf32>
    %get3A_6 = arith.constant 1 : index
    %get3A_7 = arith.constant 0 : index
    %get3A_8 = arith.constant 0 : index
    %get3A_9 = vector.load %arg1[%get3A_6, %get3A_7, %get3A_8] : memref<2x2000x128xf32, #tpu.memory_space<vmem>>, vector<1x2000x128xf32>
    %get3A_10 = vector.shape_cast %get3A_9 : vector<1x2000x128xf32> to vector<2000x128xf32>
    %concatenate3A = tpu.concatenate %get3A_5, %get3A_10 in 1 : vector<2000x128xf32>, vector<2000x128xf32> -> vector<2000x256xf32>
    %get3A_11 = arith.constant 0 : index
    %get3A_12 = arith.constant 0 : index
    %get3A_13 = vector.load %arg2[%get3A_11, %get3A_12] : memref<2000x1xf32, #tpu.memory_space<vmem>>, vector<2000x1xf32>
    %mul3A = vector.broadcast %get3A_13 : vector<2000x1xf32> to vector<2000x256xf32>
    %mul3A_14 = arith.mulf %concatenate3A, %mul3A : vector<2000x256xf32>
    %get3A_15 = arith.constant 0 : index
    %get3A_16 = arith.constant 0 : index
    %get3A_17 = vector.load %arg3[%get3A_15, %get3A_16] : memref<1x256xf32, #tpu.memory_space<vmem>>, vector<1x256xf32>
    %add3A = vector.broadcast %get3A_17 : vector<1x256xf32> to vector<2000x256xf32>
    %add3A_18 = arith.addf %mul3A_14, %add3A : vector<2000x256xf32>
    %max3A = arith.constant 0.000000e+00 : f32
    %max3A_19 = vector.broadcast %max3A : f32 to vector<2000x256xf32>
    %max3A_20 = arith.maximumf %add3A_18, %max3A_19 : vector<2000x256xf32>
    %iota3A = tpu.iota {dimensions = array<i32: 0>} : vector<100x2000xi32>
    %get3A_21 = arith.constant 0 : index
    %get3A_22 = arith.constant 0 : index
    %get3A_23 = arith.constant 0 : index
    %get3A_24 = vector.load %arg4[%get3A_21, %get3A_22, %get3A_23] : memref<1x1x2000xi32, #tpu.memory_space<vmem>>, vector<1x1x2000xi32>
    %get3A_25 = vector.shape_cast %get3A_24 : vector<1x1x2000xi32> to vector<1x2000xi32>
    %eq3A_26 = vector.broadcast %get3A_25 : vector<1x2000xi32> to vector<100x2000xi32>
    %eq3A_27 = arith.cmpi eq, %iota3A, %eq3A_26 : vector<100x2000xi32>
    %convert_element_type3A_28 = arith.extui %eq3A_27 : vector<100x2000xi1> to vector<100x2000xi32>
    %convert_element_type3A_29 = arith.sitofp %convert_element_type3A_28 : vector<100x2000xi32> to vector<100x2000xf32>
    %get3A_30 = arith.constant 0 : index
    %get3A_31 = arith.constant 0 : index
    %get3A_32 = vector.load %arg5[%get3A_30, %get3A_31] : memref<100x256xf32, #tpu.memory_space<vmem>>, vector<100x256xf32>
    %dot_general3A = arith.constant dense<0.000000e+00> : vector<100x256xf32>
    %dot_general3A_33 = tpu.matmul %convert_element_type3A_29, %max3A_20, %dot_general3A {dimension_numbers = #tpu.dot_dimension_numbers<[1], [0], [0], [1], [0, 0, 1, 1], [], []>, transpose_lhs_hint = false} : vector<100x2000xf32>, vector<2000x256xf32>, vector<100x256xf32> -> vector<100x256xf32>
    %add3A_34 = arith.addf %get3A_32, %dot_general3A_33 : vector<100x256xf32>
    %swap3A = arith.constant 0 : index
    %swap3A_35 = arith.constant 0 : index
    %swap3A_36 = vector.load %arg5[%swap3A, %swap3A_35] : memref<100x256xf32, #tpu.memory_space<vmem>>, vector<100x256xf32>
    tpu.vector_store %arg5[%swap3A, %swap3A_35], %add3A_34 {strides = array<i32>} : memref<100x256xf32, #tpu.memory_space<vmem>>, vector<100x256xf32>,
    %get3A_37 = arith.constant 0 : index
    %get3A_38 = arith.constant 0 : index
    %get3A_39 = vector.load %arg6[%get3A_37, %get3A_38] : memref<100x1xf32, #tpu.memory_space<vmem>>, vector<100x1xf32>
    %reduce_sum3A = arith.constant dense<0.000000e+00> : vector<100xf32>
    %reduce_sum3A_40 = vector.multi_reduction <add>, %convert_element_type3A_29, %reduce_sum3A [1] : vector<100x2000xf32> to vector<100xf32>
    %broadcast_in_dim3A = vector.shape_cast %reduce_sum3A_40 : vector<100xf32> to vector<100x1xf32>
    %add3A_41 = arith.addf %get3A_39, %broadcast_in_dim3A : vector<100x1xf32>
    %swap3A_42 = arith.constant 0 : index
    %swap3A_43 = arith.constant 0 : index
    %swap3A_44 = vector.load %arg6[%swap3A_42, %swap3A_43] : memref<100x1xf32, #tpu.memory_space<vmem>>, vector<100x1xf32>
    tpu.vector_store %arg6[%swap3A_42, %swap3A_43], %add3A_41 {strides = array<i32>} : memref<100x1xf32, #tpu.memory_space<vmem>>, vector<100x1xf32>,
    %eq3A_45 = arith.constant 4 : i32
    %eq3A_46 = arith.cmpi eq, %arg0, %eq3A_45 : i32
    %convert_element_type3A_47 = arith.extui %eq3A_46 : i1 to i32
    %cond3A_48 = arith.constant 0 : i32
    %cond3A_49 = arith.cmpi ne, %convert_element_type3A_47, %cond3A_48 : i32
    scf.if %cond3A_49 {
      %get3A_50 = arith.constant 0 : index
      %get3A_51 = arith.constant 0 : index
      %get3A_52 = vector.load %arg5[%get3A_50, %get3A_51] : memref<100x256xf32, #tpu.memory_space<vmem>>, vector<100x256xf32>
      %get3A_53 = arith.constant 0 : index
      %get3A_54 = arith.constant 0 : index
      %get3A_55 = vector.load %arg6[%get3A_53, %get3A_54] : memref<100x1xf32, #tpu.memory_space<vmem>>, vector<100x1xf32>
      %max3A_56 = arith.constant 1.000000e+00 : f32
      %max3A_57 = vector.broadcast %max3A_56 : f32 to vector<100x1xf32>
      %max3A_58 = arith.maximumf %get3A_55, %max3A_57 : vector<100x1xf32>
      %div3A = vector.broadcast %max3A_58 : vector<100x1xf32> to vector<100x256xf32>
      %div3A_59 = arith.divf %get3A_52, %div3A : vector<100x256xf32>
      %swap3A_60 = arith.constant 0 : index
      %swap3A_61 = arith.constant 0 : index
      %swap3A_62 = vector.load %arg5[%swap3A_60, %swap3A_61] : memref<100x256xf32, #tpu.memory_space<vmem>>, vector<100x256xf32>
      tpu.vector_store %arg5[%swap3A_60, %swap3A_61], %div3A_59 {strides = array<i32>} : memref<100x256xf32, #tpu.memory_space<vmem>>, vector<100x256xf32>,
    } else {
    }
    return
  }
  func.func @transform_0(%arg0: i32) -> (i32, i32, i32) {
    %c0_i32 = arith.constant 0 : i32
    %c0_i32_0 = arith.constant 0 : i32
    %c0_i32_1 = arith.constant 0 : i32
    return %c0_i32, %arg0, %c0_i32_0 : i32, i32, i32
  }
  func.func @transform_1(%arg0: i32) -> (i32, i32) {
    %c0_i32 = arith.constant 0 : i32
    %c0_i32_0 = arith.constant 0 : i32
    return %arg0, %c0_i32 : i32, i32
  }
  func.func @transform_2(%arg0: i32) -> (i32, i32) {
    %c0_i32 = arith.constant 0 : i32
    %c0_i32_0 = arith.constant 0 : i32
    %c0_i32_1 = arith.constant 0 : i32
    return %c0_i32, %c0_i32_0 : i32, i32
  }
  func.func @transform_3(%arg0: i32) -> (i32, i32, i32) {
    %c0_i32 = arith.constant 0 : i32
    %c0_i32_0 = arith.constant 0 : i32
    %c0_i32_1 = arith.constant 0 : i32
    return %arg0, %c0_i32, %c0_i32_0 : i32, i32, i32
  }
  func.func @transform_4(%arg0: i32) -> (i32, i32) {
    %c0_i32 = arith.constant 0 : i32
    %c0_i32_0 = arith.constant 0 : i32
    %c0_i32_1 = arith.constant 0 : i32
    return %c0_i32, %c0_i32_0 : i32, i32
  }
}

</mosaic_0001>

<sc_bundles>
// kernel: kernel.6.cloned.1.call-start
scs
__scs_entry_jumppad:
0x0: {  	(pc) =	sbr.rel $0x88, $3  }
0x1: {  	(tag) =	ssettag $0x0;
	lr =	simm.s32 $0x1  }
0x2: {  	[smem:$0x3F9C] =	sst lr;
	_ =	strace $0xD0000000  }
0x3: {  	_ = 	snop  }
0x4: {  	_ = 	snop  }
0x5: {  	_ = 	snop  }
0x6: {  	_ = 	snop  }
0x7: {  	_ = 	snop  }
__scs_overlays_trampoline_lowered:
0x8: {  	[smem:$0x3FAB] =	sst s0  }
0x9: {  	[smem:$0x3FAC] =	sst s1  }
0xa: {  	[smem:$0x3FAD] =	sst s2  }
0xb: {  	[smem:$0x3FAE] =	sst s3  }
0xc: {  	[smem:$0x3FAF] =	sst s4  }
0xd: {  	[smem:$0x3FB0] =	sst s5  }
0xe: {  	[smem:$0x3FB1] =	sst s6  }
0xf: {  	[smem:$0x3FB2] =	sst s7  }
0x10: {  	[smem:$0x3FB3] =	sst s8  }
0x11: {  	[smem:$0x3FB4] =	sst s9;
	s0 =	simm.s32 @!p0 $0x0  }
0x12: {  	s1 =	sld [smem:$0x3F9A];
	s0 =	simm.s32 @p0 $0x1  }
0x13: {  	[smem:$0x3FB5] =	sst s0;
	s0 =	simm.s32 @!p1 $0x0  }
0x14: {  	s2 =	sld [smem:$0x3F99];
	s0 =	simm.s32 @p1 $0x1  }
0x15: {  	[smem:$0x3FB6] =	sst s0;
	s0 =	simm.s32 @!p2 $0x0  }
0x16: {  	s3 =	sld [smem:$0x3FDB];
	s0 =	simm.s32 @p2 $0x1  }
0x17: {  	s4 =	simm.s32 $0x1BF5;
	[smem:$0x3FB8] =	sst s0  }
0x18: {  	s0 =	sld [smem:$0x3F9B];
	_ =	swait.ge [sflag:s4], $0x0  }
0x19: {  	s7 =	sld [smem:$0x3F9C]  }
0x1a: {  	s8 =	sadd.s32 $0xFFFFE003, lr  }
0x1b: {  	s9 =	sadd.s32 $0xFFFFFEF7, lr;
	s5 =	simm.s32 $0xFFFFFFFF;
	p2 =	slt.u32 s8, $0xFFFFF086  }
0x1c: {  	p1 =	slt.u32 s9, $0xF7A;
	s5 =	simm.s32 @!p2 $0x0  }
0x1d: {  	s5 =	simm.s32 @p1 $0x1;
	p0 =	seq.s32 s7, s2  }
0x1e: {  	s7 =	smul.u32 @!p0 $0xF7A, s2;
	p2 =	seq.s32 @!p0 s5, $0x0  }
0x1f: {  	s9 =	smul.u32 $0xF7A, s1;
	s8 =	simm.s32 @!p0 $0x1BF5;
	p2 =	por !p2, p0  }
0x20: {  	[sflag:s8] =	ssyncset.s32 @!p0 $0xFFFFF086;
	s6 =	sadd.s32 @!p0 s3, s7;
	s7 =	simm.s32 @!p0 $0x108  }
0x21: {  	s3 =	sadd.s32 s3, s9;
	s6 =	sadd.s32 @!p0 $0x88, s6;
	s7 =	simm.s32 @p2 $0x1082  }
0x22: {  	[simem:s7], [sflag:s8] =	dma.local @!p0 [hbm:s6], $0xF7A  }
0x23: {  	s9 =	sor.u32 $0xD0000000, s2;
	s6 =	simm.s32 $0x108;
	_ =	swait.ge @!p0 [sflag:s8], $0x0  }
0x24: {  	s3 =	sadd.s32 $0x88, s3;
	s6 =	simm.s32 @!p1 $0x1082;
	[sflag:s4] =	ssyncset.s32 $0xFFFFF086  }
0x25: {  	[simem:s6], [sflag:s4] =	dma.local [hbm:s3], $0xF7A  }
0x26: {  	[smem:$0x3F9C] =	sst s1;
	(tag) =	ssettag s2;
	_ =	strace s9  }
0x27: {  	s1 =	sld [smem:$0x3FAC]  }
0x28: {  	s2 =	sld [smem:$0x3FAD]  }
0x29: {  	s4 =	sld [smem:$0x3FAF]  }
0x2a: {  	p0 =	seq.s32 s5, $0x0;
	s5 =	sld [smem:$0x3FB0]  }
0x2b: {  	s6 =	sld [smem:$0x3FB1]  }
0x2c: {  	s7 =	sld [smem:$0x3FB2]  }
0x2d: {  	s3 =	simm.s32 $0x108;
	s8 =	sld [smem:$0x3FB3]  }
0x2e: {  	s3 =	simm.s32 @!p0 $0x1082;
	s9 =	sld [smem:$0x3FB4]  }
0x2f: {  	lr =	sadd.s32 s0, s3;
	s0 =	sld [smem:$0x3FAB]  }
0x30: {  	s3 =	sld [smem:$0x3FAE]  }
0x31: {  	[smem:$0x3FB7] =	sst s10  }
0x32: {  	s10 =	sld [smem:$0x3FB5];
	_ =	sdelay $0x3  }
0x33: {  	p0 =	seq.s32 s10, $0x1;
	s10 =	sld [smem:$0x3FB7];
	_ =	sdelay $0x3  }
0x34: {  	[smem:$0x3FB7] =	sst s10  }
0x35: {  	s10 =	sld [smem:$0x3FB6];
	_ =	sdelay $0x3  }
0x36: {  	p1 =	seq.s32 s10, $0x1;
	s10 =	sld [smem:$0x3FB7];
	_ =	sdelay $0x3  }
0x37: {  	[smem:$0x3FB7] =	sst s10  }
0x38: {  	s10 =	sld [smem:$0x3FB8]  }
0x39: {  	_ = 	snop;
	(pc) =	sbr.ind lr, $3  }
0x3a: {  	_ = 	snop  }
0x3b: {  	_ = 	snop  }
0x3c: {  	p2 =	seq.s32 s10, $0x1;
	s10 =	sld [smem:$0x3FB7]  }
0x3d: {  	_ =	shalt  }
0x3e: {  	_ =	shalt  }
0x3f: {  	_ =	shalt  }
0x40: {  	_ =	shalt  }
0x41: {  	_ =	shalt  }
0x42: {  	_ =	shalt  }
0x43: {  	_ =	shalt  }
0x44: {  	_ =	shalt  }
0x45: {  	_ =	shalt  }
0x46: {  	_ =	shalt  }
0x47: {  	_ =	shalt  }
0x48: {  	_ =	shalt  }
0x49: {  	_ =	shalt  }
0x4a: {  	_ =	shalt  }
0x4b: {  	_ =	shalt  }
0x4c: {  	_ =	shalt  }
0x4d: {  	_ =	shalt  }
0x4e: {  	_ =	shalt  }
0x4f: {  	_ =	shalt  }
0x50: {  	_ =	shalt  }
0x51: {  	_ =	shalt  }
0x52: {  	_ =	shalt  }
0x53: {  	_ =	shalt  }
0x54: {  	_ =	shalt  }
0x55: {  	_ =	shalt  }
0x56: {  	_ =	shalt  }
0x57: {  	_ =	shalt  }
0x58: {  	_ =	shalt  }
0x59: {  	_ =	shalt  }
0x5a: {  	_ =	shalt  }
0x5b: {  	_ =	shalt  }
0x5c: {  	_ =	shalt  }
0x5d: {  	_ =	shalt  }
0x5e: {  	_ =	shalt  }
0x5f: {  	_ =	shalt  }
0x60: {  	_ =	shalt  }
0x61: {  	_ =	shalt  }
0x62: {  	_ =	shalt  }
0x63: {  	_ =	shalt  }
0x64: {  	_ =	shalt  }
0x65: {  	_ =	shalt  }
0x66: {  	_ =	shalt  }
0x67: {  	_ =	shalt  }
0x68: {  	_ =	shalt  }
0x69: {  	_ =	shalt  }
0x6a: {  	_ =	shalt  }
0x6b: {  	_ =	shalt  }
0x6c: {  	_ =	shalt  }
0x6d: {  	_ =	shalt  }
0x6e: {  	_ =	shalt  }
0x6f: {  	_ =	shalt  }
0x70: {  	_ =	shalt  }
0x71: {  	_ =	shalt  }
0x72: {  	_ =	shalt  }
0x73: {  	_ =	shalt  }
0x74: {  	_ =	shalt  }
0x75: {  	_ =	shalt  }
0x76: {  	_ =	shalt  }
0x77: {  	_ =	shalt  }
0x78: {  	_ =	shalt  }
0x79: {  	_ =	shalt  }
0x7a: {  	_ =	shalt  }
0x7b: {  	_ =	shalt  }
0x7c: {  	_ =	shalt  }
0x7d: {  	_ =	shalt  }
0x7e: {  	_ =	shalt  }
0x7f: {  	_ =	shalt  }
0x80: {  	_ =	shalt  }
0x81: {  	_ =	shalt  }
0x82: {  	_ =	shalt  }
0x83: {  	_ =	shalt  }
0x84: {  	_ =	shalt  }
0x85: {  	_ =	shalt  }
0x86: {  	_ =	shalt  }
0x87: {  	_ =	shalt  }
.Lfunc_end0:
.L_simem_size_0:
called_computation_lowered:
.L_overlay_start_0:
0x88: {  	s2 =	sld [smem:$0x3FD9]  }
0x89: {  	s3 =	sld [smem:$0x3FFE];
	_ =	sdelay $0x1  }
0x8a: {  	s1 =	srdreg.scid  }
0x8b: {  	s0 =	sand.u32 $0x1, s1  }
0x8c: {  	s17 =	sshll.u32 s0, $0xA;
	s2 =	sadd.s32 s3, s2  }
0x8d: {  	s2 =	sadd.s32 s2, s17  }
0x8e: {  	[smem:$0x3FC3] =	sst s2  }
0x8f: {  	_ = 	snop  }
0x90: {  	s2 =	sld [smem:$0x3FD0];
	(tm) =	ssettm $0x1  }
0x91: {  	s18 =	sld [smem:$0x3FFB];
	_ =	sdelay $0x3  }
0x92: {  	_ =	strace s18  }
0x93: {  	s3 =	sld [smem:$0x3FFC];
	_ =	sdelay $0x3  }
0x94: {  	_ =	strace s3  }
0x95: {  	s3 =	sld [smem:$0x3FFD];
	_ =	sdelay $0x3  }
0x96: {  	_ =	strace s3  }
0x97: {  	_ =	strace $0x8FFFFFFF  }
0x98: {  	s19 =	sld [smem:$0x3FDB];
	_ =	sdelay $0x1  }
0x99: {  	s4 =	simm.s32 $_scs_section_size  }
0x9a: {  	s5 =	simm.s32 $_size__tile_overlayer_lowered;
	s6 =	simm.s32 $_tile_overlayer_lowered  }
0x9b: {  	s22 =	simm.s32 $0x1BFF;
	s21 =	sshll.u32 s6, $0x1;
	s3 =	sadd.s32 s4, s19  }
0x9c: {  	s7 =	simm.s32 $0x0;
	s20 =	sshll.u32 s5, $0x1;
	s5 =	sadd.s32 s21, s3  }
0x9d: {  	[timem:s7], [sflag:s22] =	dma.local [hbm:s5], s20  }
0x9e: {  	_ =	swait.ge [sflag:s22], s20  }
0x9f: {  	s4 =	ssub.s32 $0x0, s20;
	[sflag:s22] =	ssyncset.done $0x0  }
0xa0: {  	[sflag:s22] =	ssyncadd.s32 s4;
	_ =	sdelay $0x1  }
0xa1: {  	s23 =	simm.s32 $0x1B8B  }
0xa2: {  	_ =	swait.ge [sflag:s23], $0x1  }
0xa3: {  	[sflag:s23] =	ssyncset.done $0x0  }
0xa4: {  	s25 =	simm.s32 $0x1B8E;
	s24 =	sld [smem:$0x3FFE];
	[sflag:s23] =	ssyncadd.s32 $0xFFFFFFFF  }
0xa5: {  	s26 =	simm.s32 $execute0_lowered;
	[smem:$0x3FD2] =	sst s25  }
0xa6: {  	s5 =	sshll.u32 s26, $0x1;
	_ =	strace $0x80000046;
	[dreg:$0x1] =	wrdreg $0xFFFFFFFF  }
0xa7: {  	s28 =	simm.s32 $_size_execute0_lowered;
	s3 =	sadd.s32 s3, s5;
	[dreg:$0x0] =	wrdreg $0x0  }
0xa8: {  	s5 =	sshll.u32 s28, $0x1;
	[dreg:$0x2] =	wrdreg s3  }
0xa9: {  	[dreg:$0x3] =	wrdreg s5  }
0xaa: {  	[dreg:$0x4] =	wrdreg $0xC0  }
0xab: {  	_ =	task [dreg:s7], $0x5FFFF  }
0xac: {  	[dreg:$0x1] =	wrdreg $0xFFFFFFFF  }
0xad: {  	[dreg:$0x0] =	wrdreg $0x60  }
0xae: {  	[dreg:$0x2] =	wrdreg s24  }
0xaf: {  	[dreg:$0x3] =	wrdreg s2  }
0xb0: {  	[dreg:$0x4] =	wrdreg $0x9  }
0xb1: {  	_ =	task.clear_ibuf [dreg:s7], $0x5FFFF;
	_ =	strace $0x90000046  }
0xb2: {  	s29 =	simm.s32 $0x9;
	_ =	strace $0x80000048  }
0xb3: {  	_ =	swait.ge [sflag:s29], $0x1  }
0xb4: {  	[sflag:s29] =	ssyncadd.s32 $0xFFFFFFFF  }
0xb5: {  	_ =	strace $0x90000048  }
0xb6: {  	_ =	sfence  }
0xb7: {  	s30 =	sld [smem:$0x0];
	_ =	sdelay $0x2  }
0xb8: {  	s31 =	sshll.u32 s1, $0xD;
	s1 =	sshrl.u32 s1, $0x2  }
0xb9: {  	s3 =	sand.u32 $0x4000, s31;
	s1 =	sadd.s32 s1, s30  }
0xba: {  	s0 =	sor.u32 s3, s0;
	s1 =	sshll.u32 s1, $0x11  }
0xbb: {  	s0 =	sor.u32 s1, s0  }
0xbc: {  	s0 =	sadd.s32 $0x8F2B, s0  }
0xbd: {  	[sflag:s0] =	ssyncadd.remote.s32 $0x1  }
0xbe: {  	_ =	sfence.sel $0xFFFF  }
0xbf: {  	[dreg:$0x0] =	wrdreg $0xFFFFFFFF;
	(pc) =	sbr.abs _section_cstart, $3  }
0xc0: {  	[dreg:$0x1] =	wrdreg $0xFFFFFFFF  }
0xc1: {  	_ =	task.clear_ibuf [dreg:s7], $0x2FFFF;
	_ =	strace $0x9FFFFFFF  }
0xc2: {  	(tm) =	ssettm $0x7FFFFFFF  }
0xc3: {  	_ =	shalt  }
tec
execute0_lowered:
.L_overlay_start_1:
0x0: {  	(tag) =	ssettag $0x1  }
0x1: {  	s0 =	srdreg.scid  }
0x2: {  	s5 =	rddreg [dreg:$0x0];
	s4 =	sand.u32 $0x1, s0  }
0x3: {  	s2 =	rddreg [dreg:$0x1];
	s0 =	stileid.u32;
	s1 =	sshll.u32 s4, $0x4  }
0x4: {  	s3 =	simm.s32 $0x0;
	s9 =	simm.s32 $0x0;
	s6 =	sor.u32 s0, s1  }
0x5: {  	[smem:$0x7FF] =	sst s3;
	s4 =	ssub.s32 $0x2, s4;
	s7 =	smul.u32 $0x280, s6  }
0x6: {  	s1 =	rddreg [dreg:$0x2];
	s8 =	sshrl.u32 s4, $0x1;
	s6 =	smul.u32 $0x4F0, s6  }
0x7: {  	_ =	strace $0x80000047;
	s31 =	ssub.s32 s4, s8;
	s8 =	simm.s32 $0x1  }
0x8: {  	s7 =	sadd.s32 s7, s5;
	s5 =	sadd.s32 s6, s5;
	s6 =	smax.u32 s31, $0x1  }
0x9: {  	v0 =	vlaneseq.u32;
	v1 =	vimm.f32 $1.000000000e+00;
	s4 =	sadd.s32 $0x400, s7;
	s5 =	sadd.s32 $0x5400, s5;
	s7 =	simm.s32 $0x1400  }
.LBB2_1:
0xa: {  	[tilespmem:s7], [sflag:$0x1] =	stream.linear.gather [hbm4b:s2+s3], $0x2780, $0x38;
	[tilespmem:$0x3B80] =	vst v63  }
0xb: {  	_ =	swait.ge [sflag:s8], $0x2780  }
0xc: {  	[sflag:s8] =	ssyncset.done $0x0  }
0xd: {  	v3 =	vor.u32 s3, v0;
	[sflag:s8] =	ssyncadd.s32 $0xFFFFD880  }
0xe: {  	[tilespmem:s3], [sflag:$0x1] =	stream.linear.gather [hbm4b:s4+s3], $0x1400, $0x38;
	[tilespmem:$0x3B80] =	vst v63  }
0xf: {  	_ =	swait.ge [sflag:s8], $0x1400  }
0x10: {  	[sflag:s8] =	ssyncset.done $0x0  }
0x11: {  	[sflag:s8] =	ssyncadd.s32 $0xFFFFEC00  }
0x12: {  	v2 =	vld.idx.msk [tilespmem:v3+s3+$0x0], $0xffff;
	_ =	sdelay $0x1  }
0x13: {  	vm0 =	vlt.u32 v3, $0x1388  }
0x14: {  	s10 =	simm.s32 $0x10  }
0x15: {  	v3 =	vor.u32 s10, v0;
	s10 =	simm.s32 $0x20  }
.LBB2_2:
0x16: {  	p0 =	sne.s32 s10, $0x1380;
	_ =	sdelay $0x2  }
0x17: {  	[tilespmem:v2+s7+$0x0] =	vst.idx.add.f32.msk vm0, v1  }
.Ltmp0:
0x18: {  	v2 =	vld.idx.msk [tilespmem:v3+s3+$0x0], $0xffff;
	(pc) =	sbr.rel @p0 .LBB2_2-.Ltmp0, $3  }
0x19: {  	_ = 	snop  }
0x1a: {  	vm0 =	vlt.u32 v3, $0x1388;
	_ =	sdelay $0x1  }
0x1b: {  	v3 =	vor.u32 s10, v0;
	s10 =	sadd.s32 $0x10, s10  }
0x1c: {  	_ =	sdelay $0x4  }
0x1d: {  	[tilespmem:v2+s7+$0x0] =	vst.idx.add.f32.msk vm0, v1  }
0x1e: {  	v2 =	vld.idx.msk [tilespmem:v3+s3+$0x0], $0xffff;
	_ =	sdelay $0x1  }
0x1f: {  	vm15 =	vlt.u32 v3, $0x1388;
	_ =	sdelay $0x3  }
0x20: {  	s9 =	sadd.s32 $0x1, s9  }
0x21: {  	p0 =	sne.s32 s9, s6  }
.Ltmp1:
0x22: {  	[tilespmem:v2+s7+$0x0] =	vst.idx.add.f32.msk vm15, v1;
	(pc) =	sbr.rel @p0 .LBB2_1-.Ltmp1, $4  }
0x23: {  	[hbm4b:s5+s3] =	stream.linear.scatter [tilespmem:s7], [sflag:$0x1], $0x2780, $0x38;
	[tilespmem:$0x3B80] =	vst v63  }
0x24: {  	_ =	swait.ge [sflag:s8], $0x2780  }
0x25: {  	[sflag:s8] =	ssyncset.done $0x0  }
0x26: {  	[sflag:s8] =	ssyncadd.s32 $0xFFFFD880  }
0x27: {  	_ =	sfence.sel $0x180000  }
0x28: {  	[bflag:$0x0] =	sbarrier.arrive $0xFFFF  }
0x29: {  	p0 =	sne.s32 s0, $0x0;
	_ =	strace $0x90000047  }
0x2a: {  	s0 =	sadd.s32 @!p0 $0x100000, s1;
	[bflag:$0x2] =	sbarrier.arrive $0xFFFF  }
0x2b: {  	[sflag:s0] =	ssyncadd.tile.s32 @!p0 $0x1;
	_ =	shalt  }
.Lfunc_end2:
_tile_overlayer_lowered:
.L_overlay_start_2:
0x2c: {  	(tag) =	ssettag $0x2  }
0x2d: {  	s0 =	rddreg [dreg:$0x0];
	s2 =	stileid.u32  }
0x2e: {  	s1 =	rddreg [dreg:$0x1];
	p0 =	sne.s32 s2, $0x0  }
0x2f: {  	s3 =	rddreg [dreg:$0x2];
	[bflag:$0x3] =	sbarrier.arrive $0xFFFF;
	s2 =	simm.s32 @!p0 $0x1C01  }
0x30: {  	[timem:s3], [sflag:s2] =	dma.local @!p0 [hbm:s0], s1  }
0x31: {  	s0 =	simm.s32 @!p0 $0x1  }
0x32: {  	_ =	swait.ge @!p0 [sflag:s0], s1  }
0x33: {  	s1 =	ssub.s32 @!p0 $0x0, s1;
	[sflag:s0] =	ssyncset.done @!p0 $0x0  }
0x34: {  	[sflag:s0] =	ssyncadd.s32 @!p0 s1  }
0x35: {  	[bflag:$0x3] =	sbarrier.arrive $0xFFFF  }
0x36: {  	_ =	shalt  }

// kernel: kernel.9.cloned.1.call-start
scs
__scs_entry_jumppad:
0x0: {  	(pc) =	sbr.rel $0x88, $3  }
0x1: {  	(tag) =	ssettag $0x0;
	lr =	simm.s32 $0x1  }
0x2: {  	[smem:$0x3F9C] =	sst lr;
	_ =	strace $0xD0000000  }
0x3: {  	_ = 	snop  }
0x4: {  	_ = 	snop  }
0x5: {  	_ = 	snop  }
0x6: {  	_ = 	snop  }
0x7: {  	_ = 	snop  }
__scs_overlays_trampoline_lowered:
0x8: {  	[smem:$0x3FAB] =	sst s0  }
0x9: {  	[smem:$0x3FAC] =	sst s1  }
0xa: {  	[smem:$0x3FAD] =	sst s2  }
0xb: {  	[smem:$0x3FAE] =	sst s3  }
0xc: {  	[smem:$0x3FAF] =	sst s4  }
0xd: {  	[smem:$0x3FB0] =	sst s5  }
0xe: {  	[smem:$0x3FB1] =	sst s6  }
0xf: {  	[smem:$0x3FB2] =	sst s7  }
0x10: {  	[smem:$0x3FB3] =	sst s8  }
0x11: {  	[smem:$0x3FB4] =	sst s9;
	s0 =	simm.s32 @!p0 $0x0  }
0x12: {  	s1 =	sld [smem:$0x3F9A];
	s0 =	simm.s32 @p0 $0x1  }
0x13: {  	[smem:$0x3FB5] =	sst s0;
	s0 =	simm.s32 @!p1 $0x0  }
0x14: {  	s2 =	sld [smem:$0x3F99];
	s0 =	simm.s32 @p1 $0x1  }
0x15: {  	[smem:$0x3FB6] =	sst s0;
	s0 =	simm.s32 @!p2 $0x0  }
0x16: {  	s3 =	sld [smem:$0x3FDB];
	s0 =	simm.s32 @p2 $0x1  }
0x17: {  	s4 =	simm.s32 $0x1BF5;
	[smem:$0x3FB8] =	sst s0  }
0x18: {  	s0 =	sld [smem:$0x3F9B];
	_ =	swait.ge [sflag:s4], $0x0  }
0x19: {  	s7 =	sld [smem:$0x3F9C]  }
0x1a: {  	s8 =	sadd.s32 $0xFFFFE003, lr  }
0x1b: {  	s9 =	sadd.s32 $0xFFFFFEF7, lr;
	s5 =	simm.s32 $0xFFFFFFFF;
	p2 =	slt.u32 s8, $0xFFFFF086  }
0x1c: {  	p1 =	slt.u32 s9, $0xF7A;
	s5 =	simm.s32 @!p2 $0x0  }
0x1d: {  	s5 =	simm.s32 @p1 $0x1;
	p0 =	seq.s32 s7, s2  }
0x1e: {  	s7 =	smul.u32 @!p0 $0xF7A, s2;
	p2 =	seq.s32 @!p0 s5, $0x0  }
0x1f: {  	s9 =	smul.u32 $0xF7A, s1;
	s8 =	simm.s32 @!p0 $0x1BF5;
	p2 =	por !p2, p0  }
0x20: {  	[sflag:s8] =	ssyncset.s32 @!p0 $0xFFFFF086;
	s6 =	sadd.s32 @!p0 s3, s7;
	s7 =	simm.s32 @!p0 $0x108  }
0x21: {  	s3 =	sadd.s32 s3, s9;
	s6 =	sadd.s32 @!p0 $0x88, s6;
	s7 =	simm.s32 @p2 $0x1082  }
0x22: {  	[simem:s7], [sflag:s8] =	dma.local @!p0 [hbm:s6], $0xF7A  }
0x23: {  	s9 =	sor.u32 $0xD0000000, s2;
	s6 =	simm.s32 $0x108;
	_ =	swait.ge @!p0 [sflag:s8], $0x0  }
0x24: {  	s3 =	sadd.s32 $0x88, s3;
	s6 =	simm.s32 @!p1 $0x1082;
	[sflag:s4] =	ssyncset.s32 $0xFFFFF086  }
0x25: {  	[simem:s6], [sflag:s4] =	dma.local [hbm:s3], $0xF7A  }
0x26: {  	[smem:$0x3F9C] =	sst s1;
	(tag) =	ssettag s2;
	_ =	strace s9  }
0x27: {  	s1 =	sld [smem:$0x3FAC]  }
0x28: {  	s2 =	sld [smem:$0x3FAD]  }
0x29: {  	s4 =	sld [smem:$0x3FAF]  }
0x2a: {  	p0 =	seq.s32 s5, $0x0;
	s5 =	sld [smem:$0x3FB0]  }
0x2b: {  	s6 =	sld [smem:$0x3FB1]  }
0x2c: {  	s7 =	sld [smem:$0x3FB2]  }
0x2d: {  	s3 =	simm.s32 $0x108;
	s8 =	sld [smem:$0x3FB3]  }
0x2e: {  	s3 =	simm.s32 @!p0 $0x1082;
	s9 =	sld [smem:$0x3FB4]  }
0x2f: {  	lr =	sadd.s32 s0, s3;
	s0 =	sld [smem:$0x3FAB]  }
0x30: {  	s3 =	sld [smem:$0x3FAE]  }
0x31: {  	[smem:$0x3FB7] =	sst s10  }
0x32: {  	s10 =	sld [smem:$0x3FB5];
	_ =	sdelay $0x3  }
0x33: {  	p0 =	seq.s32 s10, $0x1;
	s10 =	sld [smem:$0x3FB7];
	_ =	sdelay $0x3  }
0x34: {  	[smem:$0x3FB7] =	sst s10  }
0x35: {  	s10 =	sld [smem:$0x3FB6];
	_ =	sdelay $0x3  }
0x36: {  	p1 =	seq.s32 s10, $0x1;
	s10 =	sld [smem:$0x3FB7];
	_ =	sdelay $0x3  }
0x37: {  	[smem:$0x3FB7] =	sst s10  }
0x38: {  	s10 =	sld [smem:$0x3FB8]  }
0x39: {  	_ = 	snop;
	(pc) =	sbr.ind lr, $3  }
0x3a: {  	_ = 	snop  }
0x3b: {  	_ = 	snop  }
0x3c: {  	p2 =	seq.s32 s10, $0x1;
	s10 =	sld [smem:$0x3FB7]  }
0x3d: {  	_ =	shalt  }
0x3e: {  	_ =	shalt  }
0x3f: {  	_ =	shalt  }
0x40: {  	_ =	shalt  }
0x41: {  	_ =	shalt  }
0x42: {  	_ =	shalt  }
0x43: {  	_ =	shalt  }
0x44: {  	_ =	shalt  }
0x45: {  	_ =	shalt  }
0x46: {  	_ =	shalt  }
0x47: {  	_ =	shalt  }
0x48: {  	_ =	shalt  }
0x49: {  	_ =	shalt  }
0x4a: {  	_ =	shalt  }
0x4b: {  	_ =	shalt  }
0x4c: {  	_ =	shalt  }
0x4d: {  	_ =	shalt  }
0x4e: {  	_ =	shalt  }
0x4f: {  	_ =	shalt  }
0x50: {  	_ =	shalt  }
0x51: {  	_ =	shalt  }
0x52: {  	_ =	shalt  }
0x53: {  	_ =	shalt  }
0x54: {  	_ =	shalt  }
0x55: {  	_ =	shalt  }
0x56: {  	_ =	shalt  }
0x57: {  	_ =	shalt  }
0x58: {  	_ =	shalt  }
0x59: {  	_ =	shalt  }
0x5a: {  	_ =	shalt  }
0x5b: {  	_ =	shalt  }
0x5c: {  	_ =	shalt  }
0x5d: {  	_ =	shalt  }
0x5e: {  	_ =	shalt  }
0x5f: {  	_ =	shalt  }
0x60: {  	_ =	shalt  }
0x61: {  	_ =	shalt  }
0x62: {  	_ =	shalt  }
0x63: {  	_ =	shalt  }
0x64: {  	_ =	shalt  }
0x65: {  	_ =	shalt  }
0x66: {  	_ =	shalt  }
0x67: {  	_ =	shalt  }
0x68: {  	_ =	shalt  }
0x69: {  	_ =	shalt  }
0x6a: {  	_ =	shalt  }
0x6b: {  	_ =	shalt  }
0x6c: {  	_ =	shalt  }
0x6d: {  	_ =	shalt  }
0x6e: {  	_ =	shalt  }
0x6f: {  	_ =	shalt  }
0x70: {  	_ =	shalt  }
0x71: {  	_ =	shalt  }
0x72: {  	_ =	shalt  }
0x73: {  	_ =	shalt  }
0x74: {  	_ =	shalt  }
0x75: {  	_ =	shalt  }
0x76: {  	_ =	shalt  }
0x77: {  	_ =	shalt  }
0x78: {  	_ =	shalt  }
0x79: {  	_ =	shalt  }
0x7a: {  	_ =	shalt  }
0x7b: {  	_ =	shalt  }
0x7c: {  	_ =	shalt  }
0x7d: {  	_ =	shalt  }
0x7e: {  	_ =	shalt  }
0x7f: {  	_ =	shalt  }
0x80: {  	_ =	shalt  }
0x81: {  	_ =	shalt  }
0x82: {  	_ =	shalt  }
0x83: {  	_ =	shalt  }
0x84: {  	_ =	shalt  }
0x85: {  	_ =	shalt  }
0x86: {  	_ =	shalt  }
0x87: {  	_ =	shalt  }
.Lfunc_end0:
.L_simem_size_0:
called_computation.1_lowered:
.L_overlay_start_0:
0x88: {  	s2 =	sld [smem:$0x3FD9]  }
0x89: {  	s3 =	sld [smem:$0x3FFE];
	_ =	sdelay $0x1  }
0x8a: {  	s1 =	srdreg.scid  }
0x8b: {  	s0 =	sand.u32 $0x1, s1  }
0x8c: {  	s16 =	sshll.u32 s0, $0xA;
	s2 =	sadd.s32 s3, s2  }
0x8d: {  	s2 =	sadd.s32 s2, s16  }
0x8e: {  	[smem:$0x3FC3] =	sst s2  }
0x8f: {  	_ = 	snop  }
0x90: {  	(tm) =	ssettm $0x1  }
0x91: {  	s17 =	sld [smem:$0x3FFB];
	_ =	sdelay $0x3  }
0x92: {  	_ =	strace s17  }
0x93: {  	s2 =	sld [smem:$0x3FFC];
	_ =	sdelay $0x3  }
0x94: {  	_ =	strace s2  }
0x95: {  	s2 =	sld [smem:$0x3FFD];
	_ =	sdelay $0x3  }
0x96: {  	_ =	strace s2  }
0x97: {  	_ =	strace $0x8FFFFFFF  }
0x98: {  	s18 =	sld [smem:$0x3FDB];
	_ =	sdelay $0x1  }
0x99: {  	s19 =	simm.s32 $_scs_section_size  }
0x9a: {  	s4 =	simm.s32 $_size__tile_overlayer_lowered;
	s5 =	simm.s32 $_tile_overlayer_lowered  }
0x9b: {  	s22 =	simm.s32 $0x1BFF;
	s21 =	sshll.u32 s5, $0x1;
	s2 =	sadd.s32 s19, s18  }
0x9c: {  	s6 =	simm.s32 $0x0;
	s20 =	sshll.u32 s4, $0x1;
	s4 =	sadd.s32 s21, s2  }
0x9d: {  	[timem:s6], [sflag:s22] =	dma.local [hbm:s4], s20  }
0x9e: {  	_ =	swait.ge [sflag:s22], s20  }
0x9f: {  	s3 =	ssub.s32 $0x0, s20;
	[sflag:s22] =	ssyncset.done $0x0  }
0xa0: {  	[sflag:s22] =	ssyncadd.s32 s3;
	_ =	sdelay $0x1  }
0xa1: {  	s23 =	simm.s32 $0x1B8B  }
0xa2: {  	_ =	swait.ge [sflag:s23], $0x1  }
0xa3: {  	[sflag:s23] =	ssyncset.done $0x0  }
0xa4: {  	s25 =	simm.s32 $0x1B8E;
	s24 =	sld [smem:$0x3FFE];
	[sflag:s23] =	ssyncadd.s32 $0xFFFFFFFF  }
0xa5: {  	s26 =	simm.s32 $execute0_lowered;
	[smem:$0x3FD2] =	sst s25  }
0xa6: {  	s4 =	sshll.u32 s26, $0x1;
	_ =	strace $0x80000049;
	[dreg:$0x1] =	wrdreg $0xFFFFFFFF  }
0xa7: {  	s28 =	simm.s32 $_size_execute0_lowered;
	s2 =	sadd.s32 s2, s4;
	[dreg:$0x0] =	wrdreg $0x0  }
0xa8: {  	s4 =	sshll.u32 s28, $0x1;
	[dreg:$0x2] =	wrdreg s2  }
0xa9: {  	[dreg:$0x3] =	wrdreg s4  }
0xaa: {  	[dreg:$0x4] =	wrdreg $0xC0  }
0xab: {  	_ =	task [dreg:s6], $0x5FFFF  }
0xac: {  	[dreg:$0x1] =	wrdreg $0xFFFFFFFF  }
0xad: {  	[dreg:$0x0] =	wrdreg $0x60  }
0xae: {  	[dreg:$0x2] =	wrdreg s24  }
0xaf: {  	[dreg:$0x3] =	wrdreg $0xA8000  }
0xb0: {  	[dreg:$0x4] =	wrdreg $0x9  }
0xb1: {  	_ =	task.clear_ibuf [dreg:s6], $0x5FFFF;
	_ =	strace $0x90000049  }
0xb2: {  	s29 =	simm.s32 $0x9;
	_ =	strace $0x8000004B  }
0xb3: {  	_ =	swait.ge [sflag:s29], $0x1  }
0xb4: {  	[sflag:s29] =	ssyncadd.s32 $0xFFFFFFFF  }
0xb5: {  	_ =	strace $0x9000004B  }
0xb6: {  	_ =	sfence  }
0xb7: {  	s30 =	sld [smem:$0x0];
	_ =	sdelay $0x2  }
0xb8: {  	s31 =	sshll.u32 s1, $0xD;
	s1 =	sshrl.u32 s1, $0x2  }
0xb9: {  	s3 =	sand.u32 $0x4000, s31;
	s1 =	sadd.s32 s1, s30  }
0xba: {  	s0 =	sor.u32 s3, s0;
	s1 =	sshll.u32 s1, $0x11  }
0xbb: {  	s0 =	sor.u32 s1, s0  }
0xbc: {  	s0 =	sadd.s32 $0x8F2B, s0  }
0xbd: {  	[sflag:s0] =	ssyncadd.remote.s32 $0x1  }
0xbe: {  	_ =	sfence.sel $0xFFFF  }
0xbf: {  	[dreg:$0x0] =	wrdreg $0xFFFFFFFF;
	(pc) =	sbr.abs _section_cstart, $3  }
0xc0: {  	[dreg:$0x1] =	wrdreg $0xFFFFFFFF  }
0xc1: {  	_ =	task.clear_ibuf [dreg:s6], $0x2FFFF;
	_ =	strace $0x9FFFFFFF  }
0xc2: {  	(tm) =	ssettm $0x7FFFFFFF  }
0xc3: {  	_ =	shalt  }
tec
execute0_lowered:
.L_overlay_start_1:
0x0: {  	(tag) =	ssettag $0x1  }
0x1: {  	s0 =	rddreg [dreg:$0x0]  }
0x2: {  	s1 =	rddreg [dreg:$0x1];
	s2 =	simm.s32 $0x0;
	s3 =	srdreg.scid  }
0x3: {  	s18 =	stileid.u32;
	s21 =	simm.s32 $0x5;
	s28 =	simm.s32 $0x80  }
0x4: {  	s29 =	simm.s32 $0x6800;
	s30 =	simm.s32 $0x2;
	s31 =	simm.s32 $0x3  }
0x5: {  	[smem:$0x7FF] =	sst s2;
	s4 =	sadd.s32 $0x19200, s0;
	s7 =	smul.u32 $0x4E000, s18  }
0x6: {  	s3 =	sand.u32 $0x1, s3;
	s5 =	sadd.s32 $0x14200, s0;
	s23 =	smul.u32 $0x2800, s18  }
0x7: {  	s8 =	sadd.s32 $0xF200, s0;
	s16 =	sadd.s32 $0x67400, s0;
	s10 =	smul.u32 $0x500, s18  }
0x8: {  	s19 =	sadd.s32 $0x138000, s1;
	s13 =	sadd.s32 $0x8E500, s0;
	s26 =	sshll.u32 s18, $0x6  }
0x9: {  	p1 =	sne.s32 s18, $0xF;
	_ =	strace $0x8000004A;
	[dreg:$0x3] =	wrdreg s16  }
0xa: {  	p2 =	seq.s32 s18, $0xF;
	s6 =	ssub.s32 $0x2, s3;
	[dreg:$0x8] =	wrdreg s26  }
0xb: {  	p0 =	sne.s32 s3, $0x0;
	[dreg:$0x4] =	wrdreg s19;
	s3 =	simm.s32 $0x1480  }
0xc: {  	s9 =	sshrl.u32 s6, $0x1;
	s22 =	sshrl.u32 s7, $0x2;
	s7 =	smul.u32 $0x2700, s18  }
0xd: {  	s11 =	sshrl.u32 s23, $0x3;
	s23 =	simm.s32 $0x1400;
	s14 =	ssub.s32 s6, s9  }
0xe: {  	s15 =	sadd.s32 s22, s1;
	s6 =	sadd.s32 $0x40300, s0;
	s9 =	sadd.s32 s5, s10  }
0xf: {  	s10 =	sadd.s32 s8, s10;
	s12 =	sadd.s32 $0x280, s11;
	s0 =	sadd.s32 $0x40200, s0  }
0x10: {  	s22 =	sshrl.u32 @!p1 s19, $0x3;
	s11 =	sadd.s32 s5, s12;
	s12 =	sadd.s32 s8, s12  }
.Ltmp0:
0x11: {  	s24 =	sadd.s32 s4, s7;
	[dreg:$0x6] =	wrdreg s0;
	(pc) =	sbr.rel .LBB2_1-.Ltmp0, $4  }
0x12: {  	s25 =	sadd.s32 s16, s7;
	s17 =	smax.u32 s14, $0x1;
	s16 =	sor.u32 $0x1C05, s26  }
0x13: {  	s20 =	sshrl.u32 s15, $0x3;
	s26 =	simm.s32 $0x1;
	s0 =	simm.s32 $0x100  }
0x14: {  	s14 =	simm.s32 $0x4;
	s15 =	simm.s32 $0x0;
	[dreg:$0x5] =	wrdreg s24  }
0x15: {  	[dreg:$0x7] =	wrdreg s25;
	s24 =	simm.s32 $0x7D;
	s25 =	simm.s32 $0x2800  }
.LBB2_16:
0x16: {  	s8 =	rddreg [dreg:$0x4]  }
0x17: {  	s5 =	sadd.s32 $0x27000, s5;
	s8 =	sshrl.u32 s8, $0x3  }
0x18: {  	[hbm:s5], [sflag:s19] =	dma.local [spmem:s8], $0x100  }
0x19: {  	_ =	swait.ge [sflag:s21], $0x100  }
0x1a: {  	[sflag:s21] =	ssyncset.done $0x0  }
0x1b: {  	[sflag:s21] =	ssyncadd.s32 $0xFFFFFF00  }
.LBB2_17:
0x1c: {  	s15 =	sadd.s32 $0x1, s15  }
0x1d: {  	p3 =	sne.s32 s15, s17  }
.Ltmp1:
0x1e: {  	_ = 	snop;
	(pc) =	sbr.rel @!p3 .LBB2_18-.Ltmp1, $1  }
0x1f: {  	_ =	sdelay $0x3  }
.LBB2_1:
.Ltmp2:
0x20: {  	(pc) =	sbr.rel @p0 .LBB2_9-.Ltmp2, $1  }
0x21: {  	_ =	sdelay $0x3  }
0x22: {  	s5 =	rddreg [dreg:$0x5]  }
0x23: {  	[spmem:s20], [sflag:s16] =	dma.local [hbm:s5], $0x2700  }
0x24: {  	_ =	swait.ge [sflag:s21], $0x2700  }
0x25: {  	[sflag:s21] =	ssyncset.done $0x0  }
0x26: {  	s5 =	rddreg [dreg:$0x6];
	[sflag:s21] =	ssyncadd.s32 $0xFFFFD900  }
0x27: {  	[spmem:s22], [sflag:s16] =	dma.local @!p1 [hbm:s5], $0x100  }
0x28: {  	s5 =	simm.s32 @!p1 $0x5  }
0x29: {  	_ =	swait.ge @!p1 [sflag:s5], $0x100  }
0x2a: {  	[sflag:s5] =	ssyncset.done @!p1 $0x0  }
0x2b: {  	[sflag:s5] =	ssyncadd.s32 @!p1 $0xFFFFFF00  }
0x2c: {  	[bflag:$0x0] =	sbarrier.arrive $0xFFFF  }
0x2d: {  	[tilespmem:s2], [sflag:$0x5] =	stream.linear.gather [hbm4b:s9+s2], $0x1400, $0x38;
	[tilespmem:$0x1E080] =	vst v63  }
0x2e: {  	_ =	swait.ge [sflag:s21], $0x1400  }
0x2f: {  	[sflag:s21] =	ssyncset.done $0x0  }
0x30: {  	[sflag:s21] =	ssyncadd.s32 $0xFFFFEC00  }
0x31: {  	[tilespmem:s23], [sflag:$0x5] =	stream.linear.gather [hbm4b:s10+s2], $0x1400, $0x38;
	[tilespmem:$0x1E080] =	vst v63  }
0x32: {  	_ =	swait.ge [sflag:s21], $0x1400  }
0x33: {  	[sflag:s21] =	ssyncset.done $0x0  }
0x34: {  	[sflag:s21] =	ssyncadd.s32 $0xFFFFEC00  }
0x35: {  	[tilespmem:s25], [sflag:$0x1] =	stream.indirect.gather [hbm4b:s4+s24], $0x80, s2, s24, $0xb8;
	[tilespmem:$0x1E080] =	vst v63  }
0x36: {  	_ =	swait.ge [sflag:s26], $0x3E80  }
0x37: {  	[sflag:s26] =	ssyncset.done $0x0  }
0x38: {  	[sflag:s26] =	ssyncadd.s32 $0xFFFFC180  }
0x39: {  	[tilespmem:s29], [sflag:$0x2] =	stream.indirect.gather [hbm4b:s4+s24], $0x80, s28, s24, $0xb8;
	[tilespmem:$0x1E080] =	vst v63  }
0x3a: {  	_ = 	snop  }
0x3b: {  	[spmem:s1] =	stream.indirect.scatter.add.f32 [tilespmem:s25], [sflag:$0x3], $0x80, s23, s24, $0xb8;
	[tilespmem:$0x1E080] =	vst v63  }
0x3c: {  	_ =	swait.ge [sflag:s30], $0x3E80  }
0x3d: {  	[sflag:s30] =	ssyncset.done $0x0  }
0x3e: {  	[sflag:s30] =	ssyncadd.s32 $0xFFFFC180  }
0x3f: {  	_ =	swait.ge [sflag:s31], $0x3E80  }
0x40: {  	[sflag:s31] =	ssyncset.done $0x0  }
0x41: {  	[sflag:s31] =	ssyncadd.s32 $0xFFFFC180  }
0x42: {  	[tilespmem:s25], [sflag:$0x1] =	stream.indirect.gather [hbm4b:s4+s24], $0x80, s0, s24, $0xb8;
	[tilespmem:$0x1E080] =	vst v63  }
0x43: {  	s5 =	simm.s32 $0xFFFFB800  }
0x44: {  	[spmem:s1] =	stream.indirect.scatter.add.f32 [tilespmem:s29], [sflag:$0x4], $0x80, s3, s24, $0xb8;
	[tilespmem:$0x1E080] =	vst v63  }
.LBB2_3:
0x45: {  	_ =	swait.ge [sflag:s26], $0x3E80  }
0x46: {  	[sflag:s26] =	ssyncset.done $0x0  }
0x47: {  	[sflag:s26] =	ssyncadd.s32 $0xFFFFC180  }
0x48: {  	_ =	swait.ge [sflag:s14], $0x3E80  }
0x49: {  	s8 =	sshra.s32 s5, $0x2;
	[sflag:s14] =	ssyncset.done $0x0  }
0x4a: {  	s18 =	sadd.s32 $0x1380, s8;
	[sflag:s14] =	ssyncadd.s32 $0xFFFFC180  }
0x4b: {  	[tilespmem:s29], [sflag:$0x2] =	stream.indirect.gather [hbm4b:s4+s24], $0x80, s18, s24, $0xb8;
	[tilespmem:$0x1E080] =	vst v63  }
0x4c: {  	s19 =	sadd.s32 $0x2700, s8  }
0x4d: {  	[spmem:s1] =	stream.indirect.scatter.add.f32 [tilespmem:s25], [sflag:$0x3], $0x80, s19, s24, $0xb8;
	[tilespmem:$0x1E080] =	vst v63  }
0x4e: {  	p3 =	seq.s32 s5, $0x0;
	_ =	swait.ge [sflag:s30], $0x3E80  }
.Ltmp3:
0x4f: {  	[sflag:s30] =	ssyncset.done $0x0;
	(pc) =	sbr.rel @p3 .LBB2_5-.Ltmp3, $4  }
0x50: {  	[sflag:s30] =	ssyncadd.s32 $0xFFFFC180  }
0x51: {  	_ =	swait.ge [sflag:s31], $0x3E80  }
0x52: {  	[sflag:s31] =	ssyncset.done $0x0  }
0x53: {  	s18 =	sadd.s32 $0x2780, s8;
	[sflag:s31] =	ssyncadd.s32 $0xFFFFC180  }
.Ltmp4:
0x54: {  	(pc) =	sbr.rel .LBB2_3-.Ltmp4, $4  }
0x55: {  	s8 =	sadd.s32 $0x1400, s8  }
0x56: {  	[tilespmem:s25], [sflag:$0x1] =	stream.indirect.gather [hbm4b:s4+s24], $0x80, s8, s24, $0xb8;
	[tilespmem:$0x1E080] =	vst v63  }
0x57: {  	s5 =	sadd.s32 $0x400, s5  }
0x58: {  	[spmem:s1] =	stream.indirect.scatter.add.f32 [tilespmem:s29], [sflag:$0x4], $0x80, s18, s24, $0xb8;
	[tilespmem:$0x1E080] =	vst v63  }
.LBB2_9:
0x59: {  	s8 =	rddreg [dreg:$0x8]  }
0x5a: {  	s5 =	sadd.s32 s7, s6;
	s19 =	sor.u32 $0x1C05, s8  }
0x5b: {  	[spmem:s20], [sflag:s19] =	dma.local [hbm:s5], $0x2700  }
0x5c: {  	_ =	swait.ge [sflag:s21], $0x2700  }
0x5d: {  	[sflag:s21] =	ssyncset.done $0x0  }
0x5e: {  	s5 =	sadd.s32 @!p1 $0x27000, s6;
	[sflag:s21] =	ssyncadd.s32 $0xFFFFD900  }
0x5f: {  	[spmem:s22], [sflag:s19] =	dma.local @!p1 [hbm:s5], $0x100  }
0x60: {  	s5 =	simm.s32 @!p1 $0x5  }
0x61: {  	_ =	swait.ge @!p1 [sflag:s5], $0x100  }
0x62: {  	[sflag:s5] =	ssyncset.done @!p1 $0x0  }
0x63: {  	[sflag:s5] =	ssyncadd.s32 @!p1 $0xFFFFFF00  }
0x64: {  	[bflag:$0x0] =	sbarrier.arrive $0xFFFF  }
0x65: {  	[tilespmem:s2], [sflag:$0x5] =	stream.linear.gather [hbm4b:s9+s2], $0x1400, $0x38;
	[tilespmem:$0x1E080] =	vst v63  }
0x66: {  	_ =	swait.ge [sflag:s21], $0x1400  }
0x67: {  	[sflag:s21] =	ssyncset.done $0x0  }
0x68: {  	[sflag:s21] =	ssyncadd.s32 $0xFFFFEC00  }
0x69: {  	[tilespmem:s23], [sflag:$0x5] =	stream.linear.gather [hbm4b:s10+s2], $0x1400, $0x38;
	[tilespmem:$0x1E080] =	vst v63  }
0x6a: {  	_ =	swait.ge [sflag:s21], $0x1400  }
0x6b: {  	[sflag:s21] =	ssyncset.done $0x0  }
0x6c: {  	[sflag:s21] =	ssyncadd.s32 $0xFFFFEC00  }
0x6d: {  	[tilespmem:s25], [sflag:$0x1] =	stream.indirect.gather [hbm4b:s6+s24], $0x80, s2, s24, $0xb8;
	[tilespmem:$0x1E080] =	vst v63  }
0x6e: {  	_ =	swait.ge [sflag:s26], $0x3E80  }
0x6f: {  	[sflag:s26] =	ssyncset.done $0x0  }
0x70: {  	[sflag:s26] =	ssyncadd.s32 $0xFFFFC180  }
0x71: {  	[tilespmem:s29], [sflag:$0x2] =	stream.indirect.gather [hbm4b:s6+s24], $0x80, s28, s24, $0xb8;
	[tilespmem:$0x1E080] =	vst v63  }
0x72: {  	_ = 	snop  }
0x73: {  	[spmem:s1] =	stream.indirect.scatter.add.f32 [tilespmem:s25], [sflag:$0x3], $0x80, s23, s24, $0xb8;
	[tilespmem:$0x1E080] =	vst v63  }
0x74: {  	_ =	swait.ge [sflag:s30], $0x3E80  }
0x75: {  	[sflag:s30] =	ssyncset.done $0x0  }
0x76: {  	[sflag:s30] =	ssyncadd.s32 $0xFFFFC180  }
0x77: {  	_ =	swait.ge [sflag:s31], $0x3E80  }
0x78: {  	[sflag:s31] =	ssyncset.done $0x0  }
0x79: {  	[sflag:s31] =	ssyncadd.s32 $0xFFFFC180  }
0x7a: {  	[tilespmem:s25], [sflag:$0x1] =	stream.indirect.gather [hbm4b:s6+s24], $0x80, s0, s24, $0xb8;
	[tilespmem:$0x1E080] =	vst v63  }
0x7b: {  	s5 =	simm.s32 $0xFFFFB800  }
0x7c: {  	[spmem:s1] =	stream.indirect.scatter.add.f32 [tilespmem:s29], [sflag:$0x4], $0x80, s3, s24, $0xb8;
	[tilespmem:$0x1E080] =	vst v63  }
.LBB2_10:
0x7d: {  	_ =	swait.ge [sflag:s26], $0x3E80  }
0x7e: {  	[sflag:s26] =	ssyncset.done $0x0  }
0x7f: {  	[sflag:s26] =	ssyncadd.s32 $0xFFFFC180  }
0x80: {  	_ =	swait.ge [sflag:s14], $0x3E80  }
0x81: {  	s8 =	sshra.s32 s5, $0x2;
	[sflag:s14] =	ssyncset.done $0x0  }
0x82: {  	s18 =	sadd.s32 $0x1380, s8;
	[sflag:s14] =	ssyncadd.s32 $0xFFFFC180  }
0x83: {  	[tilespmem:s29], [sflag:$0x2] =	stream.indirect.gather [hbm4b:s6+s24], $0x80, s18, s24, $0xb8;
	[tilespmem:$0x1E080] =	vst v63  }
0x84: {  	s18 =	sadd.s32 $0x2700, s8  }
0x85: {  	[spmem:s1] =	stream.indirect.scatter.add.f32 [tilespmem:s25], [sflag:$0x3], $0x80, s18, s24, $0xb8;
	[tilespmem:$0x1E080] =	vst v63  }
0x86: {  	p3 =	seq.s32 s5, $0x0;
	_ =	swait.ge [sflag:s30], $0x3E80  }
.Ltmp5:
0x87: {  	[sflag:s30] =	ssyncset.done $0x0;
	(pc) =	sbr.rel @p3 .LBB2_12-.Ltmp5, $4  }
0x88: {  	[sflag:s30] =	ssyncadd.s32 $0xFFFFC180  }
0x89: {  	_ =	swait.ge [sflag:s31], $0x3E80  }
0x8a: {  	[sflag:s31] =	ssyncset.done $0x0  }
0x8b: {  	s18 =	sadd.s32 $0x2780, s8;
	[sflag:s31] =	ssyncadd.s32 $0xFFFFC180  }
.Ltmp6:
0x8c: {  	(pc) =	sbr.rel .LBB2_10-.Ltmp6, $4  }
0x8d: {  	s8 =	sadd.s32 $0x1400, s8  }
0x8e: {  	[tilespmem:s25], [sflag:$0x1] =	stream.indirect.gather [hbm4b:s6+s24], $0x80, s8, s24, $0xb8;
	[tilespmem:$0x1E080] =	vst v63  }
0x8f: {  	s5 =	sadd.s32 $0x400, s5  }
0x90: {  	[spmem:s1] =	stream.indirect.scatter.add.f32 [tilespmem:s29], [sflag:$0x4], $0x80, s18, s24, $0xb8;
	[tilespmem:$0x1E080] =	vst v63  }
.LBB2_5:
0x91: {  	[spmem:s1] =	stream.indirect.scatter.add.f32 [tilespmem:s29], [sflag:$0x4], $0x80, s18, s24, $0xb8;
	[tilespmem:$0x1E080] =	vst v63  }
0x92: {  	_ =	swait.ge [sflag:s14], $0x3E80  }
0x93: {  	[sflag:s14] =	ssyncset.done $0x0  }
0x94: {  	[sflag:s14] =	ssyncadd.s32 $0xFFFFC180  }
0x95: {  	[tilespmem:s2], [sflag:$0x5] =	stream.linear.gather [hbm4b:s11+s2], $0x1400, $0x38;
	[tilespmem:$0x1E080] =	vst v63  }
0x96: {  	_ =	swait.ge [sflag:s21], $0x1400  }
0x97: {  	[sflag:s21] =	ssyncset.done $0x0  }
0x98: {  	[sflag:s21] =	ssyncadd.s32 $0xFFFFEC00  }
0x99: {  	[tilespmem:s23], [sflag:$0x5] =	stream.linear.gather [hbm4b:s12+s2], $0x1400, $0x38;
	[tilespmem:$0x1E080] =	vst v63  }
0x9a: {  	_ =	swait.ge [sflag:s21], $0x1400  }
0x9b: {  	[sflag:s21] =	ssyncset.done $0x0  }
0x9c: {  	[sflag:s21] =	ssyncadd.s32 $0xFFFFEC00  }
0x9d: {  	[tilespmem:s25], [sflag:$0x1] =	stream.indirect.gather [hbm4b:s4+s24], $0x80, s2, s24, $0xb8;
	[tilespmem:$0x1E080] =	vst v63  }
0x9e: {  	_ =	swait.ge [sflag:s26], $0x3E80  }
0x9f: {  	[sflag:s26] =	ssyncset.done $0x0  }
0xa0: {  	[sflag:s26] =	ssyncadd.s32 $0xFFFFC180  }
0xa1: {  	[tilespmem:s29], [sflag:$0x2] =	stream.indirect.gather [hbm4b:s4+s24], $0x80, s28, s24, $0xb8;
	[tilespmem:$0x1E080] =	vst v63  }
0xa2: {  	_ = 	snop  }
0xa3: {  	[spmem:s1] =	stream.indirect.scatter.add.f32 [tilespmem:s25], [sflag:$0x3], $0x80, s23, s24, $0xb8;
	[tilespmem:$0x1E080] =	vst v63  }
0xa4: {  	_ =	swait.ge [sflag:s30], $0x3E80  }
0xa5: {  	[sflag:s30] =	ssyncset.done $0x0  }
0xa6: {  	[sflag:s30] =	ssyncadd.s32 $0xFFFFC180  }
0xa7: {  	_ =	swait.ge [sflag:s31], $0x3E80  }
0xa8: {  	[sflag:s31] =	ssyncset.done $0x0  }
0xa9: {  	[sflag:s31] =	ssyncadd.s32 $0xFFFFC180  }
0xaa: {  	[tilespmem:s25], [sflag:$0x1] =	stream.indirect.gather [hbm4b:s4+s24], $0x80, s0, s24, $0xb8;
	[tilespmem:$0x1E080] =	vst v63  }
0xab: {  	s5 =	simm.s32 $0xFFFFB800  }
0xac: {  	[spmem:s1] =	stream.indirect.scatter.add.f32 [tilespmem:s29], [sflag:$0x4], $0x80, s3, s24, $0xb8;
	[tilespmem:$0x1E080] =	vst v63  }
.LBB2_6:
0xad: {  	_ =	swait.ge [sflag:s26], $0x3E80  }
0xae: {  	[sflag:s26] =	ssyncset.done $0x0  }
0xaf: {  	[sflag:s26] =	ssyncadd.s32 $0xFFFFC180  }
0xb0: {  	_ =	swait.ge [sflag:s14], $0x3E80  }
0xb1: {  	s8 =	sshra.s32 s5, $0x2;
	[sflag:s14] =	ssyncset.done $0x0  }
0xb2: {  	s18 =	sadd.s32 $0x1380, s8;
	[sflag:s14] =	ssyncadd.s32 $0xFFFFC180  }
0xb3: {  	[tilespmem:s29], [sflag:$0x2] =	stream.indirect.gather [hbm4b:s4+s24], $0x80, s18, s24, $0xb8;
	[tilespmem:$0x1E080] =	vst v63  }
0xb4: {  	s19 =	sadd.s32 $0x2700, s8  }
0xb5: {  	[spmem:s1] =	stream.indirect.scatter.add.f32 [tilespmem:s25], [sflag:$0x3], $0x80, s19, s24, $0xb8;
	[tilespmem:$0x1E080] =	vst v63  }
0xb6: {  	p3 =	seq.s32 s5, $0x0;
	_ =	swait.ge [sflag:s30], $0x3E80  }
.Ltmp7:
0xb7: {  	[sflag:s30] =	ssyncset.done $0x0;
	(pc) =	sbr.rel @p3 .LBB2_8-.Ltmp7, $4  }
0xb8: {  	[sflag:s30] =	ssyncadd.s32 $0xFFFFC180  }
0xb9: {  	_ =	swait.ge [sflag:s31], $0x3E80  }
0xba: {  	[sflag:s31] =	ssyncset.done $0x0  }
0xbb: {  	s18 =	sadd.s32 $0x2780, s8;
	[sflag:s31] =	ssyncadd.s32 $0xFFFFC180  }
.Ltmp8:
0xbc: {  	(pc) =	sbr.rel .LBB2_6-.Ltmp8, $4  }
0xbd: {  	s8 =	sadd.s32 $0x1400, s8  }
0xbe: {  	[tilespmem:s25], [sflag:$0x1] =	stream.indirect.gather [hbm4b:s4+s24], $0x80, s8, s24, $0xb8;
	[tilespmem:$0x1E080] =	vst v63  }
0xbf: {  	s5 =	sadd.s32 $0x400, s5  }
0xc0: {  	[spmem:s1] =	stream.indirect.scatter.add.f32 [tilespmem:s29], [sflag:$0x4], $0x80, s18, s24, $0xb8;
	[tilespmem:$0x1E080] =	vst v63  }
.LBB2_12:
0xc1: {  	[spmem:s1] =	stream.indirect.scatter.add.f32 [tilespmem:s29], [sflag:$0x4], $0x80, s18, s24, $0xb8;
	[tilespmem:$0x1E080] =	vst v63  }
0xc2: {  	_ =	swait.ge [sflag:s14], $0x3E80  }
0xc3: {  	[sflag:s14] =	ssyncset.done $0x0  }
0xc4: {  	[sflag:s14] =	ssyncadd.s32 $0xFFFFC180  }
0xc5: {  	[tilespmem:s2], [sflag:$0x5] =	stream.linear.gather [hbm4b:s11+s2], $0x1400, $0x38;
	[tilespmem:$0x1E080] =	vst v63  }
0xc6: {  	_ =	swait.ge [sflag:s21], $0x1400  }
0xc7: {  	[sflag:s21] =	ssyncset.done $0x0  }
0xc8: {  	[sflag:s21] =	ssyncadd.s32 $0xFFFFEC00  }
0xc9: {  	[tilespmem:s23], [sflag:$0x5] =	stream.linear.gather [hbm4b:s12+s2], $0x1400, $0x38;
	[tilespmem:$0x1E080] =	vst v63  }
0xca: {  	_ =	swait.ge [sflag:s21], $0x1400  }
0xcb: {  	[sflag:s21] =	ssyncset.done $0x0  }
0xcc: {  	[sflag:s21] =	ssyncadd.s32 $0xFFFFEC00  }
0xcd: {  	[tilespmem:s25], [sflag:$0x1] =	stream.indirect.gather [hbm4b:s6+s24], $0x80, s2, s24, $0xb8;
	[tilespmem:$0x1E080] =	vst v63  }
0xce: {  	_ =	swait.ge [sflag:s26], $0x3E80  }
0xcf: {  	[sflag:s26] =	ssyncset.done $0x0  }
0xd0: {  	[sflag:s26] =	ssyncadd.s32 $0xFFFFC180  }
0xd1: {  	[tilespmem:s29], [sflag:$0x2] =	stream.indirect.gather [hbm4b:s6+s24], $0x80, s28, s24, $0xb8;
	[tilespmem:$0x1E080] =	vst v63  }
0xd2: {  	_ = 	snop  }
0xd3: {  	[spmem:s1] =	stream.indirect.scatter.add.f32 [tilespmem:s25], [sflag:$0x3], $0x80, s23, s24, $0xb8;
	[tilespmem:$0x1E080] =	vst v63  }
0xd4: {  	_ =	swait.ge [sflag:s30], $0x3E80  }
0xd5: {  	[sflag:s30] =	ssyncset.done $0x0  }
0xd6: {  	[sflag:s30] =	ssyncadd.s32 $0xFFFFC180  }
0xd7: {  	_ =	swait.ge [sflag:s31], $0x3E80  }
0xd8: {  	[sflag:s31] =	ssyncset.done $0x0  }
0xd9: {  	[sflag:s31] =	ssyncadd.s32 $0xFFFFC180  }
0xda: {  	[tilespmem:s25], [sflag:$0x1] =	stream.indirect.gather [hbm4b:s6+s24], $0x80, s0, s24, $0xb8;
	[tilespmem:$0x1E080] =	vst v63  }
0xdb: {  	s5 =	simm.s32 $0xFFFFB800  }
0xdc: {  	[spmem:s1] =	stream.indirect.scatter.add.f32 [tilespmem:s29], [sflag:$0x4], $0x80, s3, s24, $0xb8;
	[tilespmem:$0x1E080] =	vst v63  }
.LBB2_13:
0xdd: {  	_ =	swait.ge [sflag:s26], $0x3E80  }
0xde: {  	[sflag:s26] =	ssyncset.done $0x0  }
0xdf: {  	[sflag:s26] =	ssyncadd.s32 $0xFFFFC180  }
0xe0: {  	_ =	swait.ge [sflag:s14], $0x3E80  }
0xe1: {  	s8 =	sshra.s32 s5, $0x2;
	[sflag:s14] =	ssyncset.done $0x0  }
0xe2: {  	s18 =	sadd.s32 $0x1380, s8;
	[sflag:s14] =	ssyncadd.s32 $0xFFFFC180  }
0xe3: {  	[tilespmem:s29], [sflag:$0x2] =	stream.indirect.gather [hbm4b:s6+s24], $0x80, s18, s24, $0xb8;
	[tilespmem:$0x1E080] =	vst v63  }
0xe4: {  	s18 =	sadd.s32 $0x2700, s8  }
0xe5: {  	[spmem:s1] =	stream.indirect.scatter.add.f32 [tilespmem:s25], [sflag:$0x3], $0x80, s18, s24, $0xb8;
	[tilespmem:$0x1E080] =	vst v63  }
0xe6: {  	p3 =	seq.s32 s5, $0x0;
	_ =	swait.ge [sflag:s30], $0x3E80  }
.Ltmp9:
0xe7: {  	[sflag:s30] =	ssyncset.done $0x0;
	(pc) =	sbr.rel @p3 .LBB2_15-.Ltmp9, $4  }
0xe8: {  	[sflag:s30] =	ssyncadd.s32 $0xFFFFC180  }
0xe9: {  	_ =	swait.ge [sflag:s31], $0x3E80  }
0xea: {  	[sflag:s31] =	ssyncset.done $0x0  }
0xeb: {  	s18 =	sadd.s32 $0x2780, s8;
	[sflag:s31] =	ssyncadd.s32 $0xFFFFC180  }
.Ltmp10:
0xec: {  	(pc) =	sbr.rel .LBB2_13-.Ltmp10, $4  }
0xed: {  	s8 =	sadd.s32 $0x1400, s8  }
0xee: {  	[tilespmem:s25], [sflag:$0x1] =	stream.indirect.gather [hbm4b:s6+s24], $0x80, s8, s24, $0xb8;
	[tilespmem:$0x1E080] =	vst v63  }
0xef: {  	s5 =	sadd.s32 $0x400, s5  }
0xf0: {  	[spmem:s1] =	stream.indirect.scatter.add.f32 [tilespmem:s29], [sflag:$0x4], $0x80, s18, s24, $0xb8;
	[tilespmem:$0x1E080] =	vst v63  }
.LBB2_8:
0xf1: {  	[spmem:s1] =	stream.indirect.scatter.add.f32 [tilespmem:s29], [sflag:$0x4], $0x80, s18, s24, $0xb8;
	[tilespmem:$0x1E080] =	vst v63  }
0xf2: {  	_ =	swait.ge [sflag:s14], $0x3E80  }
0xf3: {  	[sflag:s14] =	ssyncset.done $0x0  }
0xf4: {  	[sflag:s14] =	ssyncadd.s32 $0xFFFFC180  }
0xf5: {  	[bflag:$0x0] =	sbarrier.arrive $0xFFFF  }
0xf6: {  	s5 =	rddreg [dreg:$0x7]  }
0xf7: {  	[hbm:s5], [sflag:s16] =	dma.local [spmem:s20], $0x2700  }
.Ltmp11:
0xf8: {  	_ = 	snop;
	(pc) =	sbr.rel @p2 .LBB2_16-.Ltmp11, $4  }
.Ltmp12:
0xf9: {  	_ = 	snop;
	(pc) =	sbr.rel @!p2 .LBB2_17-.Ltmp12, $4  }
0xfa: {  	_ =	swait.ge [sflag:s21], $0x2700  }
0xfb: {  	[sflag:s21] =	ssyncset.done $0x0  }
0xfc: {  	s19 =	smov.u32 s16;
	s5 =	rddreg [dreg:$0x3];
	[sflag:s21] =	ssyncadd.s32 $0xFFFFD900  }
0xfd: {  	_ = 	snop  }
.LBB2_15:
0xfe: {  	[spmem:s1] =	stream.indirect.scatter.add.f32 [tilespmem:s29], [sflag:$0x4], $0x80, s18, s24, $0xb8;
	[tilespmem:$0x1E080] =	vst v63  }
0xff: {  	_ =	swait.ge [sflag:s14], $0x3E80  }
0x100: {  	[sflag:s14] =	ssyncset.done $0x0  }
0x101: {  	[sflag:s14] =	ssyncadd.s32 $0xFFFFC180  }
0x102: {  	s5 =	sadd.s32 s7, s13;
	[bflag:$0x0] =	sbarrier.arrive $0xFFFF  }
0x103: {  	[hbm:s5], [sflag:s19] =	dma.local [spmem:s20], $0x2700  }
.Ltmp13:
0x104: {  	_ = 	snop;
	(pc) =	sbr.rel @p1 .LBB2_17-.Ltmp13, $4  }
.Ltmp14:
0x105: {  	_ = 	snop;
	(pc) =	sbr.rel @!p1 .LBB2_16-.Ltmp14, $4  }
0x106: {  	_ =	swait.ge [sflag:s21], $0x2700  }
0x107: {  	[sflag:s21] =	ssyncset.done $0x0  }
0x108: {  	s5 =	smov.u32 s13;
	[sflag:s21] =	ssyncadd.s32 $0xFFFFD900  }
0x109: {  	_ = 	snop  }
.LBB2_18:
0x10a: {  	_ =	sfence.sel $0x180000  }
0x10b: {  	[bflag:$0x0] =	sbarrier.arrive $0xFFFF  }
0x10c: {  	_ =	strace $0x9000004A  }
0x10d: {  	s0 =	stileid.u32;
	[bflag:$0x2] =	sbarrier.arrive $0xFFFF  }
0x10e: {  	p0 =	sne.s32 s0, $0x0;
	s0 =	rddreg [dreg:$0x2]  }
0x10f: {  	s0 =	sadd.s32 @!p0 $0x100000, s0  }
0x110: {  	[sflag:s0] =	ssyncadd.tile.s32 @!p0 $0x1;
	_ =	shalt  }
.Lfunc_end2:
_tile_overlayer_lowered:
.L_overlay_start_2:
0x111: {  	(tag) =	ssettag $0x2  }
0x112: {  	s0 =	rddreg [dreg:$0x0];
	s2 =	stileid.u32  }
0x113: {  	s1 =	rddreg [dreg:$0x1];
	p0 =	sne.s32 s2, $0x0  }
0x114: {  	s3 =	rddreg [dreg:$0x2];
	[bflag:$0x3] =	sbarrier.arrive $0xFFFF;
	s2 =	simm.s32 @!p0 $0x1C05  }
0x115: {  	[timem:s3], [sflag:s2] =	dma.local @!p0 [hbm:s0], s1  }
0x116: {  	s0 =	simm.s32 @!p0 $0x5  }
0x117: {  	_ =	swait.ge @!p0 [sflag:s0], s1  }
0x118: {  	s1 =	ssub.s32 @!p0 $0x0, s1;
	[sflag:s0] =	ssyncset.done @!p0 $0x0  }
0x119: {  	[sflag:s0] =	ssyncadd.s32 @!p0 s1  }
0x11a: {  	[bflag:$0x3] =	sbarrier.arrive $0xFFFF  }
0x11b: {  	_ =	shalt  }

</sc_bundles>
